<compile_context>
chip_gen: v7x
topology: tpu7x:2x2x1
jax: 0.10.2.dev20260603
libtpu: 0.0.44.dev20260713+nightly
codegen_flags: <defaults>
</compile_context>

<pallas_src>
import functools

import jax
import jax.numpy as jnp
from jax import lax
from jax.experimental import pallas as pl
from jax.experimental.pallas import tpu as pltpu
from jax.experimental.pallas import tpu_sc as plsc

_N = 100000
_E = 6400000
_F = 4
_FP = 8
_NC = 2
_NS = 16
_NW = _NC * _NS
_CHUNK = 128
_WCH = 16
_NCH = _E // _CHUNK
_CPW = _NCH // _NW
_XTRA = _NCH % _NW
_FW = _CPW // _WCH
_TAIL = _CPW - _FW * _WCH
_NP = _N + 96
_RPT = _NP // _NS
_PK = 128 // _FP
_NR = _NP // _PK


def _sc_segment_sum(xp_rows, e3, zrows):
  mesh = plsc.VectorSubcoreMesh(core_axis_name="c", subcore_axis_name="s")

  @functools.partial(
      pl.kernel,
      out_type=jax.ShapeDtypeStruct((_NC, _NP, _FP), jnp.float32),
      mesh=mesh,
      compiler_params=pltpu.CompilerParams(use_tc_tiling_on_sc=False),
      scratch_types=[
          pltpu.VMEM_SHARED((_NP, _FP), jnp.float32),
          pltpu.VMEM_SHARED((_NP, _FP), jnp.float32),
          pltpu.VMEM((2 * _WCH, 2, _CHUNK), jnp.int32),
          pltpu.VMEM((_CHUNK, _FP), jnp.float32),
          pltpu.VMEM((_CHUNK, _FP), jnp.float32),
          pltpu.SemaphoreType.DMA,
          pltpu.SemaphoreType.DMA,
          pltpu.SemaphoreType.DMA,
      ],
  )
  def seg(x_hbm, e_hbm, z_hbm, out_hbm, x_sh, agg_sh, ebuf,
          rb0, rb1, gs0, gs1, isem):
    cid = lax.axis_index("c")
    sid = lax.axis_index("s")
    w = cid * _NS + sid
    r0 = sid * _RPT
    pltpu.sync_copy(x_hbm.at[pl.ds(r0, _RPT)], x_sh.at[pl.ds(r0, _RPT)])
    pltpu.sync_copy(z_hbm.at[pl.ds(r0, _RPT)], agg_sh.at[pl.ds(r0, _RPT)])
    plsc.subcore_barrier()

    chunk0 = w * _CPW + jnp.minimum(w, _XTRA)
    tail = _TAIL + jnp.where(w < _XTRA, 1, 0)

    def do_chunks(n2, roff):
      pltpu.async_copy(x_sh.at[ebuf.at[roff, 0]], rb0, gs0)

      def pair(k, c):
        j = roff + 2 * k
        pltpu.make_async_copy(x_sh.at[ebuf.at[j, 0]], rb0, gs0).wait()
        pltpu.async_copy(x_sh.at[ebuf.at[j + 1, 0]], rb1, gs1)
        pltpu.sync_copy(rb0, agg_sh.at[ebuf.at[j, 1]], add=True)
        pltpu.make_async_copy(x_sh.at[ebuf.at[j + 1, 0]], rb1, gs1).wait()

        @pl.when(k < n2 - 1)
        def _():
          pltpu.async_copy(x_sh.at[ebuf.at[j + 2, 0]], rb0, gs0)

        pltpu.sync_copy(rb1, agg_sh.at[ebuf.at[j + 1, 1]], add=True)
        return c

      lax.fori_loop(0, n2, pair, 0)

    pltpu.sync_copy(e_hbm.at[pl.ds(chunk0, _WCH)], ebuf.at[pl.ds(0, _WCH)])

    def window(win, carry):
      p = lax.rem(win, 2)
      roff = p * _WCH
      nroff = (1 - p) * _WCH
      nbase = chunk0 + (win + 1) * _WCH

      @pl.when(win < _FW - 1)
      def _():
        pltpu.async_copy(e_hbm.at[pl.ds(nbase, _WCH)],
                         ebuf.at[pl.ds(nroff, _WCH)], isem)

      do_chunks(_WCH // 2, roff)

      @pl.when(win < _FW - 1)
      def _():
        pltpu.make_async_copy(e_hbm.at[pl.ds(nbase, _WCH)],
                              ebuf.at[pl.ds(nroff, _WCH)], isem).wait()
      return carry

    lax.fori_loop(0, _FW, window, 0)

    tbase = chunk0 + _FW * _WCH

    @pl.when(w < _XTRA)
    def _():
      pltpu.sync_copy(e_hbm.at[pl.ds(tbase, _TAIL + 1)],
                      ebuf.at[pl.ds(0, _TAIL + 1)])

    @pl.when(w >= _XTRA)
    def _():
      pltpu.sync_copy(e_hbm.at[pl.ds(tbase, _TAIL)],
                      ebuf.at[pl.ds(0, _TAIL)])

    def tail_chunk(j, c):
      pltpu.sync_copy(x_sh.at[ebuf.at[j, 0]], rb0)
      pltpu.sync_copy(rb0, agg_sh.at[ebuf.at[j, 1]], add=True)
      return c

    lax.fori_loop(0, tail, tail_chunk, 0)

    plsc.subcore_barrier()
    pltpu.sync_copy(agg_sh.at[pl.ds(r0, _RPT)],
                    out_hbm.at[cid].at[pl.ds(r0, _RPT)])

  return seg(xp_rows, e3, zrows)


_BR = 368


def _mlp_body(xp_ref, pp_ref, eps_ref, g1_ref, g2_ref, h1_ref, h2_ref, h3_ref,
              b1_ref, b2_ref, c1_ref, c2_ref, c3_ref, o_ref):
  h = (1.0 + eps_ref[0]) * xp_ref[...] + pp_ref[0] + pp_ref[1]
  h = jnp.dot(h, g1_ref[...], preferred_element_type=jnp.float32)
  h = jnp.maximum(h + b1_ref[...], 0.0)
  h = jnp.dot(h, g2_ref[...], preferred_element_type=jnp.float32) + b2_ref[...]
  h = jnp.dot(h, h1_ref[...], preferred_element_type=jnp.float32) + c1_ref[...]
  h = 1.0 / (1.0 + jnp.exp(-h))
  h = jnp.dot(h, h2_ref[...], preferred_element_type=jnp.float32) + c2_ref[...]
  h = 1.0 / (1.0 + jnp.exp(-h))
  h = jnp.dot(h, h3_ref[...], preferred_element_type=jnp.float32) + c3_ref[...]
  o_ref[...] = 1.0 / (1.0 + jnp.exp(-h))


def _tc_mlp_packed(xp128, pp128, eps, gin_W1, gin_b1, gin_W2, gin_b2, W1, b1,
                   W2, b2, W3, b3):
  eye = jnp.eye(_PK, dtype=jnp.float32)
  wg1 = jnp.zeros((_FP, 20), jnp.float32).at[:_F].set(gin_W1)
  g1 = jnp.kron(eye, wg1)
  g2 = jnp.kron(eye, gin_W2)
  h1 = jnp.kron(eye, W1)
  h2 = jnp.kron(eye, W2)
  h3 = jnp.kron(eye, W3)
  b1t = jnp.tile(gin_b1, _PK).reshape(1, -1)
  b2t = jnp.tile(gin_b2, _PK).reshape(1, -1)
  c1t = jnp.tile(b1, _PK).reshape(1, -1)
  c2t = jnp.tile(b2, _PK).reshape(1, -1)
  c3t = jnp.tile(b3, _PK).reshape(1, -1)
  eps1 = eps.reshape(1)
  grid = (_NR // _BR,)

  def full(a):
    return pl.BlockSpec(a.shape, lambda i: tuple(0 for _ in a.shape))

  return pl.pallas_call(
      _mlp_body,
      grid=grid,
      in_specs=[
          pl.BlockSpec((_BR, 128), lambda i: (i, 0)),
          pl.BlockSpec((2, _BR, 128), lambda i: (0, i, 0)),
          pl.BlockSpec(memory_space=pltpu.SMEM),
          full(g1), full(g2), full(h1), full(h2), full(h3),
          full(b1t), full(b2t), full(c1t), full(c2t), full(c3t),
      ],
      out_specs=pl.BlockSpec((_BR, _PK), lambda i: (i, 0)),
      out_shape=jax.ShapeDtypeStruct((_NR, _PK), jnp.float32),
  )(xp128, pp128, eps1, g1, g2, h1, h2, h3, b1t, b2t, c1t, c2t, c3t)


def kernel(x, edge_index, eps, gin_W1, gin_b1, gin_W2, gin_b2, W1, b1, W2, b2,
           W3, b3):
  e3 = edge_index.reshape(2, _NCH, _CHUNK).transpose(1, 0, 2)
  s_mat = jnp.kron(jnp.eye(_PK, dtype=jnp.float32),
                   jnp.zeros((_F, _FP), jnp.float32).at[:, :_F].set(
                       jnp.eye(_F, dtype=jnp.float32)))
  xp128 = jnp.pad(
      jax.lax.dot(x.reshape(_N // _PK, _F * _PK), s_mat,
                  precision=jax.lax.Precision.HIGHEST),
      ((0, _NR - _N // _PK), (0, 0)))
  zrows = jnp.zeros((_NP, _FP), jnp.float32)
  partials = _sc_segment_sum(xp128.reshape(_NP, _FP), e3, zrows)
  out_packed = _tc_mlp_packed(xp128, partials.reshape(_NC, _NR, 128), eps,
                              gin_W1, gin_b1, gin_W2, gin_b2, W1, b1, W2, b2,
                              W3, b3)
  return out_packed.reshape(_NP, 1)[:_N]

# --- scband reference (transcript-rebuilt; emitter-appended) ---
"""Pipeline reference for scband-model-23742579212732 (READ-ONLY COPY).

The authoritative reference and input builder live on the scoring server;
editing this copy changes nothing except your own understanding.
"""

import jax, jax.numpy as jnp
import numpy as np

N_NODES = 100000
N_EDGES = 6400000


def setup_inputs(seed: int = 0) -> dict:
    key = jax.random.key(seed)
    ks = jax.random.split(key, 14)
    x = jax.random.normal(ks[0], (N_NODES, 4), dtype=jnp.float32)
    edge_index = jax.random.randint(ks[1], (2, N_EDGES), 0, N_NODES, dtype=jnp.int32)
    # GIN internal MLP: Linear(4,20) -> ReLU -> Linear(20,4), plus learnable eps
    eps = jnp.zeros((), dtype=jnp.float32)
    gin_W1 = jax.random.normal(ks[2], (4, 20), dtype=jnp.float32) * 0.5
    gin_b1 = jax.random.normal(ks[3], (20,), dtype=jnp.float32) * 0.1
    gin_W2 = jax.random.normal(ks[4], (20, 4), dtype=jnp.float32) * 0.2
    gin_b2 = jax.random.normal(ks[5], (4,), dtype=jnp.float32) * 0.1
    # Head MLP: Linear(4,50) -> sigmoid -> Linear(50,25) -> sigmoid -> Linear(25,1) -> sigmoid
    W1 = jax.random.normal(ks[6], (4, 50), dtype=jnp.float32) * 0.5
    b1 = jax.random.normal(ks[7], (50,), dtype=jnp.float32) * 0.1
    W2 = jax.random.normal(ks[8], (50, 25), dtype=jnp.float32) * 0.14
    b2 = jax.random.normal(ks[9], (25,), dtype=jnp.float32) * 0.1
    W3 = jax.random.normal(ks[10], (25, 1), dtype=jnp.float32) * 0.2
    b3 = jax.random.normal(ks[11], (1,), dtype=jnp.float32) * 0.1
    return {
        "x": x, "edge_index": edge_index, "eps": eps,
        "gin_W1": gin_W1, "gin_b1": gin_b1, "gin_W2": gin_W2, "gin_b2": gin_b2,
        "W1": W1, "b1": b1, "W2": W2, "b2": b2, "W3": W3, "b3": b3,
    }


def reference(x, edge_index, eps, gin_W1, gin_b1, gin_W2, gin_b2, W1, b1, W2, b2, W3, b3):
    src = edge_index[0]
    dst = edge_index[1]
    # GIN message passing: h_i = MLP((1 + eps) * x_i + sum_{j in N(i)} x_j)
    msgs = jnp.take(x, src, axis=0)
    agg = jax.ops.segment_sum(msgs, dst, num_segments=x.shape[0])
    h = (1.0 + eps) * x + agg
    h = jax.nn.relu(h @ gin_W1 + gin_b1)
    h = h @ gin_W2 + gin_b2
    # Head MLP with sigmoids (as in Model.forward)
    h = jax.nn.sigmoid(h @ W1 + b1)
    h = jax.nn.sigmoid(h @ W2 + b2)
    h = jax.nn.sigmoid(h @ W3 + b3)
    return h

if __name__ == "__main__":
    import jax
    _d = setup_inputs()
    print(jax.jit(kernel)(*tuple(_d.values())))

</pallas_src>

<mosaic_0001>
#map = affine_map<(d0, d1) -> (0, 0)>
#map1 = affine_map<(d0, d1) -> (0, 0, 0)>
module attributes {stable_mosaic.version = 14 : i64} {
  func.func @seg(%arg0: i32, %arg1: i32, %arg2: memref<100096x8xf32, #tpu.memory_space<hbm>>, %arg3: memref<50000x2x128xi32, #tpu.memory_space<hbm>>, %arg4: memref<100096x8xf32, #tpu.memory_space<hbm>>, %arg5: memref<2x100096x8xf32, #tpu.memory_space<hbm>>, %arg6: memref<100096x8xf32, #tpu.memory_space<vmem_shared>>, %arg7: memref<100096x8xf32, #tpu.memory_space<vmem_shared>>, %arg8: memref<32x2x128xi32, #tpu.memory_space<vmem>>, %arg9: memref<128x8xf32, #tpu.memory_space<vmem>>, %arg10: memref<128x8xf32, #tpu.memory_space<vmem>>, %arg11: memref<!tpu.dma_semaphore, #tpu.memory_space<semaphore_mem>>, %arg12: memref<!tpu.dma_semaphore, #tpu.memory_space<semaphore_mem>>, %arg13: memref<!tpu.dma_semaphore, #tpu.memory_space<semaphore_mem>>) attributes {dimension_semantics = [#tpu.dimension_semantics<core_parallel>, #tpu.dimension_semantics<subcore_parallel>], iteration_bounds = array<i64: 2, 16>, scalar_prefetch = 0 : i64, scratch_operands = 8 : i64, tpu.core_type = #tpu.core_type<sc_vector_subcore>, window_params = [{transform_indices = #map}, {transform_indices = #map1}, {transform_indices = #map}, {transform_indices = #map1}]} {
    %mul3A = arith.constant 16 : i32
    %mul3A_0 = arith.muli %arg0, %mul3A : i32
    %add3A = arith.addi %mul3A_0, %arg1 : i32
    %mul3A_1 = arith.constant 6256 : i32
    %mul3A_2 = arith.muli %arg1, %mul3A_1 : i32
    "tpu.region"() ({
      %run_scoped3A = tpu.sem_alloc : memref<!tpu.dma_semaphore, #tpu.memory_space<semaphore_mem>>
      %dma_start3A = arith.constant 0 : i32
      %dma_start3A_35 = tpu.memref_slice %arg6[%mul3A_2, %dma_start3A] : memref<100096x8xf32, #tpu.memory_space<vmem_shared>> -> memref<6256x8xf32, #tpu.memory_space<vmem_shared>>
      %dma_start3A_36 = arith.constant 0 : i32
      %dma_start3A_37 = tpu.memref_slice %arg2[%mul3A_2, %dma_start3A_36] : memref<100096x8xf32, #tpu.memory_space<hbm>> -> memref<6256x8xf32, #tpu.memory_space<hbm>>
      tpu.enqueue_dma source(%dma_start3A_37 : memref<6256x8xf32, #tpu.memory_space<hbm>>) target(%dma_start3A_35 : memref<6256x8xf32, #tpu.memory_space<vmem_shared>>) target_semaphore(%run_scoped3A : memref<!tpu.dma_semaphore, #tpu.memory_space<semaphore_mem>>)
      %dma_wait3A = arith.constant 0 : i32
      %dma_wait3A_38 = tpu.memref_slice %arg6[%mul3A_2, %dma_wait3A] : memref<100096x8xf32, #tpu.memory_space<vmem_shared>> -> memref<6256x8xf32, #tpu.memory_space<vmem_shared>>
      %dma_wait3A_39 = arith.constant 0 : i32
      %dma_wait3A_40 = tpu.memref_slice %arg2[%mul3A_2, %dma_wait3A_39] : memref<100096x8xf32, #tpu.memory_space<hbm>> -> memref<6256x8xf32, #tpu.memory_space<hbm>>
      tpu.wait_dma2 semaphore(%run_scoped3A : memref<!tpu.dma_semaphore, #tpu.memory_space<semaphore_mem>>) src(%dma_wait3A_40 : memref<6256x8xf32, #tpu.memory_space<hbm>>) dst(%dma_wait3A_38 : memref<6256x8xf32, #tpu.memory_space<vmem_shared>>)
      tpu.yield
    }) : () -> ()
    "tpu.region"() ({
      %run_scoped3A = tpu.sem_alloc : memref<!tpu.dma_semaphore, #tpu.memory_space<semaphore_mem>>
      %dma_start3A = arith.constant 0 : i32
      %dma_start3A_35 = tpu.memref_slice %arg7[%mul3A_2, %dma_start3A] : memref<100096x8xf32, #tpu.memory_space<vmem_shared>> -> memref<6256x8xf32, #tpu.memory_space<vmem_shared>>
      %dma_start3A_36 = arith.constant 0 : i32
      %dma_start3A_37 = tpu.memref_slice %arg4[%mul3A_2, %dma_start3A_36] : memref<100096x8xf32, #tpu.memory_space<hbm>> -> memref<6256x8xf32, #tpu.memory_space<hbm>>
      tpu.enqueue_dma source(%dma_start3A_37 : memref<6256x8xf32, #tpu.memory_space<hbm>>) target(%dma_start3A_35 : memref<6256x8xf32, #tpu.memory_space<vmem_shared>>) target_semaphore(%run_scoped3A : memref<!tpu.dma_semaphore, #tpu.memory_space<semaphore_mem>>)
      %dma_wait3A = arith.constant 0 : i32
      %dma_wait3A_38 = tpu.memref_slice %arg7[%mul3A_2, %dma_wait3A] : memref<100096x8xf32, #tpu.memory_space<vmem_shared>> -> memref<6256x8xf32, #tpu.memory_space<vmem_shared>>
      %dma_wait3A_39 = arith.constant 0 : i32
      %dma_wait3A_40 = tpu.memref_slice %arg4[%mul3A_2, %dma_wait3A_39] : memref<100096x8xf32, #tpu.memory_space<hbm>> -> memref<6256x8xf32, #tpu.memory_space<hbm>>
      tpu.wait_dma2 semaphore(%run_scoped3A : memref<!tpu.dma_semaphore, #tpu.memory_space<semaphore_mem>>) src(%dma_wait3A_40 : memref<6256x8xf32, #tpu.memory_space<hbm>>) dst(%dma_wait3A_38 : memref<6256x8xf32, #tpu.memory_space<vmem_shared>>)
      tpu.yield
    }) : () -> ()
    %barrier3A = arith.constant 0 : index
    tpu.barrier barrier_id(%barrier3A)
    %mul3A_3 = arith.constant 1562 : i32
    %mul3A_4 = arith.muli %add3A, %mul3A_3 : i32
    %min3A = arith.constant 16 : i32
    %min3A_5 = arith.minsi %add3A, %min3A : i32
    %add3A_6 = arith.addi %mul3A_4, %min3A_5 : i32
    %lt3A = arith.constant 16 : i32
    %lt3A_7 = arith.cmpi slt, %add3A, %lt3A : i32
    %jit3A = arith.constant 1 : i32
    %jit3A_8 = arith.constant 0 : i32
    %select_n3A = arith.select %lt3A_7, %jit3A, %jit3A_8 : i32
    %add3A_9 = arith.constant 10 : i32
    %add3A_10 = arith.addi %add3A_9, %select_n3A : i32
    "tpu.region"() ({
      %run_scoped3A = tpu.sem_alloc : memref<!tpu.dma_semaphore, #tpu.memory_space<semaphore_mem>>
      %dma_start3A = arith.constant 0 : i32
      %dma_start3A_35 = arith.constant 0 : i32
      %dma_start3A_36 = arith.constant 0 : i32
      %dma_start3A_37 = tpu.memref_slice %arg8[%dma_start3A, %dma_start3A_35, %dma_start3A_36] : memref<32x2x128xi32, #tpu.memory_space<vmem>> -> memref<16x2x128xi32, #tpu.memory_space<vmem>>
      %dma_start3A_38 = arith.constant 0 : i32
      %dma_start3A_39 = arith.constant 0 : i32
      %dma_start3A_40 = tpu.memref_slice %arg3[%add3A_6, %dma_start3A_38, %dma_start3A_39] : memref<50000x2x128xi32, #tpu.memory_space<hbm>> -> memref<16x2x128xi32, #tpu.memory_space<hbm>>
      %dma_start3A_41 = arith.constant 0 : i32
      %dma_start3A_42 = arith.constant 0 : i32
      %dma_start3A_43 = arith.constant 0 : i32
      %dma_start3A_44 = tpu.memref_slice %arg8[%dma_start3A_41, %dma_start3A_42, %dma_start3A_43] : memref<32x2x128xi32, #tpu.memory_space<vmem>> -> memref<16x2x128xi32, #tpu.memory_space<vmem>>
      %dma_start3A_45 = arith.constant 0 : i32
      %dma_start3A_46 = arith.constant 0 : i32
      %dma_start3A_47 = tpu.memref_slice %arg3[%add3A_6, %dma_start3A_45, %dma_start3A_46] : memref<50000x2x128xi32, #tpu.memory_space<hbm>> -> memref<16x2x128xi32, #tpu.memory_space<hbm>>
      tpu.enqueue_dma source(%dma_start3A_47 : memref<16x2x128xi32, #tpu.memory_space<hbm>>) target(%dma_start3A_44 : memref<16x2x128xi32, #tpu.memory_space<vmem>>) target_semaphore(%run_scoped3A : memref<!tpu.dma_semaphore, #tpu.memory_space<semaphore_mem>>)
      %dma_wait3A = arith.constant 0 : i32
      %dma_wait3A_48 = arith.constant 0 : i32
      %dma_wait3A_49 = arith.constant 0 : i32
      %dma_wait3A_50 = tpu.memref_slice %arg8[%dma_wait3A, %dma_wait3A_48, %dma_wait3A_49] : memref<32x2x128xi32, #tpu.memory_space<vmem>> -> memref<16x2x128xi32, #tpu.memory_space<vmem>>
      %dma_wait3A_51 = arith.constant 0 : i32
      %dma_wait3A_52 = arith.constant 0 : i32
      %dma_wait3A_53 = tpu.memref_slice %arg3[%add3A_6, %dma_wait3A_51, %dma_wait3A_52] : memref<50000x2x128xi32, #tpu.memory_space<hbm>> -> memref<16x2x128xi32, #tpu.memory_space<hbm>>
      %dma_wait3A_54 = arith.constant 0 : i32
      %dma_wait3A_55 = arith.constant 0 : i32
      %dma_wait3A_56 = arith.constant 0 : i32
      %dma_wait3A_57 = tpu.memref_slice %arg8[%dma_wait3A_54, %dma_wait3A_55, %dma_wait3A_56] : memref<32x2x128xi32, #tpu.memory_space<vmem>> -> memref<16x2x128xi32, #tpu.memory_space<vmem>>
      %dma_wait3A_58 = arith.constant 0 : i32
      %dma_wait3A_59 = arith.constant 0 : i32
      %dma_wait3A_60 = tpu.memref_slice %arg3[%add3A_6, %dma_wait3A_58, %dma_wait3A_59] : memref<50000x2x128xi32, #tpu.memory_space<hbm>> -> memref<16x2x128xi32, #tpu.memory_space<hbm>>
      tpu.wait_dma2 semaphore(%run_scoped3A : memref<!tpu.dma_semaphore, #tpu.memory_space<semaphore_mem>>) src(%dma_wait3A_60 : memref<16x2x128xi32, #tpu.memory_space<hbm>>) dst(%dma_wait3A_57 : memref<16x2x128xi32, #tpu.memory_space<vmem>>)
      tpu.yield
    }) : () -> ()
    %scan3A = arith.constant 0 : i32
    %scan3A_11 = arith.constant 0 : i32
    %scan3A_12 = arith.constant 97 : i32
    %scan3A_13 = arith.addi %scan3A_11, %scan3A_12 : i32
    %scan3A_14 = arith.constant 1 : i32
    scf.for %scan3A_35 = %scan3A_11 to %scan3A_13 step %scan3A_14  : i32 {
      %rem3A = arith.constant 2 : i32
      %rem3A_36 = arith.remsi %scan3A_35, %rem3A : i32
      %mul3A_37 = arith.constant 16 : i32
      %mul3A_38 = arith.muli %rem3A_36, %mul3A_37 : i32
      %sub3A = arith.constant 1 : i32
      %sub3A_39 = arith.subi %sub3A, %rem3A_36 : i32
      %mul3A_40 = arith.constant 16 : i32
      %mul3A_41 = arith.muli %sub3A_39, %mul3A_40 : i32
      %add3A_42 = arith.constant 1 : i32
      %add3A_43 = arith.addi %scan3A_35, %add3A_42 : i32
      %mul3A_44 = arith.constant 16 : i32
      %mul3A_45 = arith.muli %add3A_43, %mul3A_44 : i32
      %add3A_46 = arith.addi %add3A_6, %mul3A_45 : i32
      %lt3A_47 = arith.constant 96 : i32
      %lt3A_48 = arith.cmpi slt, %scan3A_35, %lt3A_47 : i32
      %convert_element_type3A_49 = arith.extui %lt3A_48 : i1 to i32
      %cond3A_50 = arith.constant 0 : i32
      %cond3A_51 = arith.cmpi ne, %convert_element_type3A_49, %cond3A_50 : i32
      scf.if %cond3A_51 {
        %dma_start3A_69 = arith.constant 0 : i32
        %dma_start3A_70 = arith.constant 0 : i32
        %dma_start3A_71 = tpu.memref_slice %arg8[%mul3A_41, %dma_start3A_69, %dma_start3A_70] : memref<32x2x128xi32, #tpu.memory_space<vmem>> -> memref<16x2x128xi32, #tpu.memory_space<vmem>>
        %dma_start3A_72 = arith.constant 0 : i32
        %dma_start3A_73 = arith.constant 0 : i32
        %dma_start3A_74 = tpu.memref_slice %arg3[%add3A_46, %dma_start3A_72, %dma_start3A_73] : memref<50000x2x128xi32, #tpu.memory_space<hbm>> -> memref<16x2x128xi32, #tpu.memory_space<hbm>>
        %dma_start3A_75 = arith.constant 0 : i32
        %dma_start3A_76 = arith.constant 0 : i32
        %dma_start3A_77 = tpu.memref_slice %arg8[%mul3A_41, %dma_start3A_75, %dma_start3A_76] : memref<32x2x128xi32, #tpu.memory_space<vmem>> -> memref<16x2x128xi32, #tpu.memory_space<vmem>>
        %dma_start3A_78 = arith.constant 0 : i32
        %dma_start3A_79 = arith.constant 0 : i32
        %dma_start3A_80 = tpu.memref_slice %arg3[%add3A_46, %dma_start3A_78, %dma_start3A_79] : memref<50000x2x128xi32, #tpu.memory_space<hbm>> -> memref<16x2x128xi32, #tpu.memory_space<hbm>>
        tpu.enqueue_dma source(%dma_start3A_80 : memref<16x2x128xi32, #tpu.memory_space<hbm>>) target(%dma_start3A_77 : memref<16x2x128xi32, #tpu.memory_space<vmem>>) target_semaphore(%arg13 : memref<!tpu.dma_semaphore, #tpu.memory_space<semaphore_mem>>)
      } else {
      }
      %dma_start3A = arith.constant 0 : i32
      %dma_start3A_52 = arith.constant 0 : i32
      %dma_start3A_53 = tpu.memref_slice %arg8[%mul3A_38, %dma_start3A, %dma_start3A_52] : memref<32x2x128xi32, #tpu.memory_space<vmem>> -> memref<1x1x128xi32, #tpu.memory_space<vmem>>
      %dma_start3A_54 = tpu.memref_squeeze %dma_start3A_53 : memref<1x1x128xi32, #tpu.memory_space<vmem>> -> memref<128xi32, #tpu.memory_space<vmem>>
      %dma_start3A_55 = arith.constant 0 : i32
      %dma_start3A_56 = arith.constant 0 : i32
      %dma_start3A_57 = tpu.memref_slice %arg6[%dma_start3A_55, %dma_start3A_56] : memref<100096x8xf32, #tpu.memory_space<vmem_shared>> -> memref<100096x8xf32, #tpu.memory_space<vmem_shared>>
      tpu.enqueue_indirect_dma source(%dma_start3A_57 : memref<100096x8xf32, #tpu.memory_space<vmem_shared>>) target(%arg9 : memref<128x8xf32, #tpu.memory_space<vmem>>) offsets(%dma_start3A_54 : memref<128xi32, #tpu.memory_space<vmem>>) semaphore(%arg11 : memref<!tpu.dma_semaphore, #tpu.memory_space<semaphore_mem>>)
      %scan3A_58 = arith.constant 0 : i32
      %scan3A_59 = arith.constant 0 : i32
      %scan3A_60 = arith.constant 8 : i32
      %scan3A_61 = arith.addi %scan3A_59, %scan3A_60 : i32
      %scan3A_62 = arith.constant 1 : i32
      scf.for %scan3A_69 = %scan3A_59 to %scan3A_61 step %scan3A_62  : i32 {
        %mul3A_70 = arith.constant 2 : i32
        %mul3A_71 = arith.muli %mul3A_70, %scan3A_69 : i32
        %add3A_72 = arith.addi %mul3A_38, %mul3A_71 : i32
        %dma_wait3A = arith.constant 0 : i32
        %dma_wait3A_73 = arith.constant 0 : i32
        %dma_wait3A_74 = tpu.memref_slice %arg8[%add3A_72, %dma_wait3A, %dma_wait3A_73] : memref<32x2x128xi32, #tpu.memory_space<vmem>> -> memref<1x1x128xi32, #tpu.memory_space<vmem>>
        %dma_wait3A_75 = tpu.memref_squeeze %dma_wait3A_74 : memref<1x1x128xi32, #tpu.memory_space<vmem>> -> memref<128xi32, #tpu.memory_space<vmem>>
        %dma_wait3A_76 = arith.constant 0 : i32
        %dma_wait3A_77 = arith.constant 0 : i32
        %dma_wait3A_78 = tpu.memref_slice %arg6[%dma_wait3A_76, %dma_wait3A_77] : memref<100096x8xf32, #tpu.memory_space<vmem_shared>> -> memref<100096x8xf32, #tpu.memory_space<vmem_shared>>
        tpu.wait_indirect_dma semaphore(%arg11 : memref<!tpu.dma_semaphore, #tpu.memory_space<semaphore_mem>>) src(%dma_wait3A_78 : memref<100096x8xf32, #tpu.memory_space<vmem_shared>>) dst(%arg9 : memref<128x8xf32, #tpu.memory_space<vmem>>)
        %add3A_79 = arith.constant 1 : i32
        %add3A_80 = arith.addi %add3A_72, %add3A_79 : i32
        %dma_start3A_81 = arith.constant 0 : i32
        %dma_start3A_82 = arith.constant 0 : i32
        %dma_start3A_83 = tpu.memref_slice %arg8[%add3A_80, %dma_start3A_81, %dma_start3A_82] : memref<32x2x128xi32, #tpu.memory_space<vmem>> -> memref<1x1x128xi32, #tpu.memory_space<vmem>>
        %dma_start3A_84 = tpu.memref_squeeze %dma_start3A_83 : memref<1x1x128xi32, #tpu.memory_space<vmem>> -> memref<128xi32, #tpu.memory_space<vmem>>
        %dma_start3A_85 = arith.constant 0 : i32
        %dma_start3A_86 = arith.constant 0 : i32
        %dma_start3A_87 = tpu.memref_slice %arg6[%dma_start3A_85, %dma_start3A_86] : memref<100096x8xf32, #tpu.memory_space<vmem_shared>> -> memref<100096x8xf32, #tpu.memory_space<vmem_shared>>
        tpu.enqueue_indirect_dma source(%dma_start3A_87 : memref<100096x8xf32, #tpu.memory_space<vmem_shared>>) target(%arg10 : memref<128x8xf32, #tpu.memory_space<vmem>>) offsets(%dma_start3A_84 : memref<128xi32, #tpu.memory_space<vmem>>) semaphore(%arg12 : memref<!tpu.dma_semaphore, #tpu.memory_space<semaphore_mem>>)
        %run_scoped3A = arith.constant 1 : i32
        "tpu.region"() ({
          %run_scoped3A_105 = tpu.sem_alloc : memref<!tpu.dma_semaphore, #tpu.memory_space<semaphore_mem>>
          %dma_start3A_106 = arith.constant 0 : i32
          %dma_start3A_107 = tpu.memref_slice %arg8[%add3A_72, %run_scoped3A, %dma_start3A_106] : memref<32x2x128xi32, #tpu.memory_space<vmem>> -> memref<1x1x128xi32, #tpu.memory_space<vmem>>
          %dma_start3A_108 = tpu.memref_squeeze %dma_start3A_107 : memref<1x1x128xi32, #tpu.memory_space<vmem>> -> memref<128xi32, #tpu.memory_space<vmem>>
          %dma_start3A_109 = arith.constant 0 : i32
          %dma_start3A_110 = arith.constant 0 : i32
          %dma_start3A_111 = tpu.memref_slice %arg7[%dma_start3A_109, %dma_start3A_110] : memref<100096x8xf32, #tpu.memory_space<vmem_shared>> -> memref<100096x8xf32, #tpu.memory_space<vmem_shared>>
          tpu.enqueue_indirect_dma source(%arg9 : memref<128x8xf32, #tpu.memory_space<vmem>>) target(%dma_start3A_111 : memref<100096x8xf32, #tpu.memory_space<vmem_shared>>) offsets(%dma_start3A_108 : memref<128xi32, #tpu.memory_space<vmem>>) semaphore(%run_scoped3A_105 : memref<!tpu.dma_semaphore, #tpu.memory_space<semaphore_mem>>) {add = true}
          %dma_wait3A_112 = arith.constant 0 : i32
          %dma_wait3A_113 = tpu.memref_slice %arg8[%add3A_72, %run_scoped3A, %dma_wait3A_112] : memref<32x2x128xi32, #tpu.memory_space<vmem>> -> memref<1x1x128xi32, #tpu.memory_space<vmem>>
          %dma_wait3A_114 = tpu.memref_squeeze %dma_wait3A_113 : memref<1x1x128xi32, #tpu.memory_space<vmem>> -> memref<128xi32, #tpu.memory_space<vmem>>
          %dma_wait3A_115 = arith.constant 0 : i32
          %dma_wait3A_116 = arith.constant 0 : i32
          %dma_wait3A_117 = tpu.memref_slice %arg7[%dma_wait3A_115, %dma_wait3A_116] : memref<100096x8xf32, #tpu.memory_space<vmem_shared>> -> memref<100096x8xf32, #tpu.memory_space<vmem_shared>>
          tpu.wait_indirect_dma semaphore(%run_scoped3A_105 : memref<!tpu.dma_semaphore, #tpu.memory_space<semaphore_mem>>) src(%arg9 : memref<128x8xf32, #tpu.memory_space<vmem>>) dst(%dma_wait3A_117 : memref<100096x8xf32, #tpu.memory_space<vmem_shared>>)
          tpu.yield
        }) : () -> ()
        %add3A_88 = arith.constant 1 : i32
        %add3A_89 = arith.addi %add3A_72, %add3A_88 : i32
        %dma_wait3A_90 = arith.constant 0 : i32
        %dma_wait3A_91 = arith.constant 0 : i32
        %dma_wait3A_92 = tpu.memref_slice %arg8[%add3A_89, %dma_wait3A_90, %dma_wait3A_91] : memref<32x2x128xi32, #tpu.memory_space<vmem>> -> memref<1x1x128xi32, #tpu.memory_space<vmem>>
        %dma_wait3A_93 = tpu.memref_squeeze %dma_wait3A_92 : memref<1x1x128xi32, #tpu.memory_space<vmem>> -> memref<128xi32, #tpu.memory_space<vmem>>
        %dma_wait3A_94 = arith.constant 0 : i32
        %dma_wait3A_95 = arith.constant 0 : i32
        %dma_wait3A_96 = tpu.memref_slice %arg6[%dma_wait3A_94, %dma_wait3A_95] : memref<100096x8xf32, #tpu.memory_space<vmem_shared>> -> memref<100096x8xf32, #tpu.memory_space<vmem_shared>>
        tpu.wait_indirect_dma semaphore(%arg12 : memref<!tpu.dma_semaphore, #tpu.memory_space<semaphore_mem>>) src(%dma_wait3A_96 : memref<100096x8xf32, #tpu.memory_space<vmem_shared>>) dst(%arg10 : memref<128x8xf32, #tpu.memory_space<vmem>>)
        %lt3A_97 = arith.constant 7 : i32
        %lt3A_98 = arith.cmpi slt, %scan3A_69, %lt3A_97 : i32
        %convert_element_type3A_99 = arith.extui %lt3A_98 : i1 to i32
        %cond3A_100 = arith.constant 0 : i32
        %cond3A_101 = arith.cmpi ne, %convert_element_type3A_99, %cond3A_100 : i32
        scf.if %cond3A_101 {
          %add3A_105 = arith.constant 2 : i32
          %add3A_106 = arith.addi %add3A_72, %add3A_105 : i32
          %dma_start3A_107 = arith.constant 0 : i32
          %dma_start3A_108 = arith.constant 0 : i32
          %dma_start3A_109 = tpu.memref_slice %arg8[%add3A_106, %dma_start3A_107, %dma_start3A_108] : memref<32x2x128xi32, #tpu.memory_space<vmem>> -> memref<1x1x128xi32, #tpu.memory_space<vmem>>
          %dma_start3A_110 = tpu.memref_squeeze %dma_start3A_109 : memref<1x1x128xi32, #tpu.memory_space<vmem>> -> memref<128xi32, #tpu.memory_space<vmem>>
          %dma_start3A_111 = arith.constant 0 : i32
          %dma_start3A_112 = arith.constant 0 : i32
          %dma_start3A_113 = tpu.memref_slice %arg6[%dma_start3A_111, %dma_start3A_112] : memref<100096x8xf32, #tpu.memory_space<vmem_shared>> -> memref<100096x8xf32, #tpu.memory_space<vmem_shared>>
          tpu.enqueue_indirect_dma source(%dma_start3A_113 : memref<100096x8xf32, #tpu.memory_space<vmem_shared>>) target(%arg9 : memref<128x8xf32, #tpu.memory_space<vmem>>) offsets(%dma_start3A_110 : memref<128xi32, #tpu.memory_space<vmem>>) semaphore(%arg11 : memref<!tpu.dma_semaphore, #tpu.memory_space<semaphore_mem>>)
        } else {
        }
        %add3A_102 = arith.constant 1 : i32
        %add3A_103 = arith.addi %add3A_72, %add3A_102 : i32
        %run_scoped3A_104 = arith.constant 1 : i32
        "tpu.region"() ({
          %run_scoped3A_105 = tpu.sem_alloc : memref<!tpu.dma_semaphore, #tpu.memory_space<semaphore_mem>>
          %dma_start3A_106 = arith.constant 0 : i32
          %dma_start3A_107 = tpu.memref_slice %arg8[%add3A_103, %run_scoped3A_104, %dma_start3A_106] : memref<32x2x128xi32, #tpu.memory_space<vmem>> -> memref<1x1x128xi32, #tpu.memory_space<vmem>>
          %dma_start3A_108 = tpu.memref_squeeze %dma_start3A_107 : memref<1x1x128xi32, #tpu.memory_space<vmem>> -> memref<128xi32, #tpu.memory_space<vmem>>
          %dma_start3A_109 = arith.constant 0 : i32
          %dma_start3A_110 = arith.constant 0 : i32
          %dma_start3A_111 = tpu.memref_slice %arg7[%dma_start3A_109, %dma_start3A_110] : memref<100096x8xf32, #tpu.memory_space<vmem_shared>> -> memref<100096x8xf32, #tpu.memory_space<vmem_shared>>
          tpu.enqueue_indirect_dma source(%arg10 : memref<128x8xf32, #tpu.memory_space<vmem>>) target(%dma_start3A_111 : memref<100096x8xf32, #tpu.memory_space<vmem_shared>>) offsets(%dma_start3A_108 : memref<128xi32, #tpu.memory_space<vmem>>) semaphore(%run_scoped3A_105 : memref<!tpu.dma_semaphore, #tpu.memory_space<semaphore_mem>>) {add = true}
          %dma_wait3A_112 = arith.constant 0 : i32
          %dma_wait3A_113 = tpu.memref_slice %arg8[%add3A_103, %run_scoped3A_104, %dma_wait3A_112] : memref<32x2x128xi32, #tpu.memory_space<vmem>> -> memref<1x1x128xi32, #tpu.memory_space<vmem>>
          %dma_wait3A_114 = tpu.memref_squeeze %dma_wait3A_113 : memref<1x1x128xi32, #tpu.memory_space<vmem>> -> memref<128xi32, #tpu.memory_space<vmem>>
          %dma_wait3A_115 = arith.constant 0 : i32
          %dma_wait3A_116 = arith.constant 0 : i32
          %dma_wait3A_117 = tpu.memref_slice %arg7[%dma_wait3A_115, %dma_wait3A_116] : memref<100096x8xf32, #tpu.memory_space<vmem_shared>> -> memref<100096x8xf32, #tpu.memory_space<vmem_shared>>
          tpu.wait_indirect_dma semaphore(%run_scoped3A_105 : memref<!tpu.dma_semaphore, #tpu.memory_space<semaphore_mem>>) src(%arg10 : memref<128x8xf32, #tpu.memory_space<vmem>>) dst(%dma_wait3A_117 : memref<100096x8xf32, #tpu.memory_space<vmem_shared>>)
          tpu.yield
        }) : () -> ()
      }
      %scan3A_63 = arith.constant 8 : i32
      %lt3A_64 = arith.constant 96 : i32
      %lt3A_65 = arith.cmpi slt, %scan3A_35, %lt3A_64 : i32
      %convert_element_type3A_66 = arith.extui %lt3A_65 : i1 to i32
      %cond3A_67 = arith.constant 0 : i32
      %cond3A_68 = arith.cmpi ne, %convert_element_type3A_66, %cond3A_67 : i32
      scf.if %cond3A_68 {
        %dma_wait3A = arith.constant 0 : i32
        %dma_wait3A_69 = arith.constant 0 : i32
        %dma_wait3A_70 = tpu.memref_slice %arg8[%mul3A_41, %dma_wait3A, %dma_wait3A_69] : memref<32x2x128xi32, #tpu.memory_space<vmem>> -> memref<16x2x128xi32, #tpu.memory_space<vmem>>
        %dma_wait3A_71 = arith.constant 0 : i32
        %dma_wait3A_72 = arith.constant 0 : i32
        %dma_wait3A_73 = tpu.memref_slice %arg3[%add3A_46, %dma_wait3A_71, %dma_wait3A_72] : memref<50000x2x128xi32, #tpu.memory_space<hbm>> -> memref<16x2x128xi32, #tpu.memory_space<hbm>>
        %dma_wait3A_74 = arith.constant 0 : i32
        %dma_wait3A_75 = arith.constant 0 : i32
        %dma_wait3A_76 = tpu.memref_slice %arg8[%mul3A_41, %dma_wait3A_74, %dma_wait3A_75] : memref<32x2x128xi32, #tpu.memory_space<vmem>> -> memref<16x2x128xi32, #tpu.memory_space<vmem>>
        %dma_wait3A_77 = arith.constant 0 : i32
        %dma_wait3A_78 = arith.constant 0 : i32
        %dma_wait3A_79 = tpu.memref_slice %arg3[%add3A_46, %dma_wait3A_77, %dma_wait3A_78] : memref<50000x2x128xi32, #tpu.memory_space<hbm>> -> memref<16x2x128xi32, #tpu.memory_space<hbm>>
        tpu.wait_dma2 semaphore(%arg13 : memref<!tpu.dma_semaphore, #tpu.memory_space<semaphore_mem>>) src(%dma_wait3A_79 : memref<16x2x128xi32, #tpu.memory_space<hbm>>) dst(%dma_wait3A_76 : memref<16x2x128xi32, #tpu.memory_space<vmem>>)
      } else {
      }
    }
    %scan3A_15 = arith.constant 97 : i32
    %add3A_16 = arith.constant 1552 : i32
    %add3A_17 = arith.addi %add3A_6, %add3A_16 : i32
    %lt3A_18 = arith.constant 16 : i32
    %lt3A_19 = arith.cmpi slt, %add3A, %lt3A_18 : i32
    %convert_element_type3A = arith.extui %lt3A_19 : i1 to i32
    %cond3A = arith.constant 0 : i32
    %cond3A_20 = arith.cmpi ne, %convert_element_type3A, %cond3A : i32
    scf.if %cond3A_20 {
      "tpu.region"() ({
        %run_scoped3A = tpu.sem_alloc : memref<!tpu.dma_semaphore, #tpu.memory_space<semaphore_mem>>
        %dma_start3A = arith.constant 0 : i32
        %dma_start3A_35 = arith.constant 0 : i32
        %dma_start3A_36 = arith.constant 0 : i32
        %dma_start3A_37 = tpu.memref_slice %arg8[%dma_start3A, %dma_start3A_35, %dma_start3A_36] : memref<32x2x128xi32, #tpu.memory_space<vmem>> -> memref<11x2x128xi32, #tpu.memory_space<vmem>>
        %dma_start3A_38 = arith.constant 0 : i32
        %dma_start3A_39 = arith.constant 0 : i32
        %dma_start3A_40 = tpu.memref_slice %arg3[%add3A_17, %dma_start3A_38, %dma_start3A_39] : memref<50000x2x128xi32, #tpu.memory_space<hbm>> -> memref<11x2x128xi32, #tpu.memory_space<hbm>>
        %dma_start3A_41 = arith.constant 0 : i32
        %dma_start3A_42 = arith.constant 0 : i32
        %dma_start3A_43 = arith.constant 0 : i32
        %dma_start3A_44 = tpu.memref_slice %arg8[%dma_start3A_41, %dma_start3A_42, %dma_start3A_43] : memref<32x2x128xi32, #tpu.memory_space<vmem>> -> memref<11x2x128xi32, #tpu.memory_space<vmem>>
        %dma_start3A_45 = arith.constant 0 : i32
        %dma_start3A_46 = arith.constant 0 : i32
        %dma_start3A_47 = tpu.memref_slice %arg3[%add3A_17, %dma_start3A_45, %dma_start3A_46] : memref<50000x2x128xi32, #tpu.memory_space<hbm>> -> memref<11x2x128xi32, #tpu.memory_space<hbm>>
        tpu.enqueue_dma source(%dma_start3A_47 : memref<11x2x128xi32, #tpu.memory_space<hbm>>) target(%dma_start3A_44 : memref<11x2x128xi32, #tpu.memory_space<vmem>>) target_semaphore(%run_scoped3A : memref<!tpu.dma_semaphore, #tpu.memory_space<semaphore_mem>>)
        %dma_wait3A = arith.constant 0 : i32
        %dma_wait3A_48 = arith.constant 0 : i32
        %dma_wait3A_49 = arith.constant 0 : i32
        %dma_wait3A_50 = tpu.memref_slice %arg8[%dma_wait3A, %dma_wait3A_48, %dma_wait3A_49] : memref<32x2x128xi32, #tpu.memory_space<vmem>> -> memref<11x2x128xi32, #tpu.memory_space<vmem>>
        %dma_wait3A_51 = arith.constant 0 : i32
        %dma_wait3A_52 = arith.constant 0 : i32
        %dma_wait3A_53 = tpu.memref_slice %arg3[%add3A_17, %dma_wait3A_51, %dma_wait3A_52] : memref<50000x2x128xi32, #tpu.memory_space<hbm>> -> memref<11x2x128xi32, #tpu.memory_space<hbm>>
        %dma_wait3A_54 = arith.constant 0 : i32
        %dma_wait3A_55 = arith.constant 0 : i32
        %dma_wait3A_56 = arith.constant 0 : i32
        %dma_wait3A_57 = tpu.memref_slice %arg8[%dma_wait3A_54, %dma_wait3A_55, %dma_wait3A_56] : memref<32x2x128xi32, #tpu.memory_space<vmem>> -> memref<11x2x128xi32, #tpu.memory_space<vmem>>
        %dma_wait3A_58 = arith.constant 0 : i32
        %dma_wait3A_59 = arith.constant 0 : i32
        %dma_wait3A_60 = tpu.memref_slice %arg3[%add3A_17, %dma_wait3A_58, %dma_wait3A_59] : memref<50000x2x128xi32, #tpu.memory_space<hbm>> -> memref<11x2x128xi32, #tpu.memory_space<hbm>>
        tpu.wait_dma2 semaphore(%run_scoped3A : memref<!tpu.dma_semaphore, #tpu.memory_space<semaphore_mem>>) src(%dma_wait3A_60 : memref<11x2x128xi32, #tpu.memory_space<hbm>>) dst(%dma_wait3A_57 : memref<11x2x128xi32, #tpu.memory_space<vmem>>)
        tpu.yield
      }) : () -> ()
    } else {
    }
    %ge3A = arith.constant 16 : i32
    %ge3A_21 = arith.cmpi sge, %add3A, %ge3A : i32
    %convert_element_type3A_22 = arith.extui %ge3A_21 : i1 to i32
    %cond3A_23 = arith.constant 0 : i32
    %cond3A_24 = arith.cmpi ne, %convert_element_type3A_22, %cond3A_23 : i32
    scf.if %cond3A_24 {
      "tpu.region"() ({
        %run_scoped3A = tpu.sem_alloc : memref<!tpu.dma_semaphore, #tpu.memory_space<semaphore_mem>>
        %dma_start3A = arith.constant 0 : i32
        %dma_start3A_35 = arith.constant 0 : i32
        %dma_start3A_36 = arith.constant 0 : i32
        %dma_start3A_37 = tpu.memref_slice %arg8[%dma_start3A, %dma_start3A_35, %dma_start3A_36] : memref<32x2x128xi32, #tpu.memory_space<vmem>> -> memref<10x2x128xi32, #tpu.memory_space<vmem>>
        %dma_start3A_38 = arith.constant 0 : i32
        %dma_start3A_39 = arith.constant 0 : i32
        %dma_start3A_40 = tpu.memref_slice %arg3[%add3A_17, %dma_start3A_38, %dma_start3A_39] : memref<50000x2x128xi32, #tpu.memory_space<hbm>> -> memref<10x2x128xi32, #tpu.memory_space<hbm>>
        %dma_start3A_41 = arith.constant 0 : i32
        %dma_start3A_42 = arith.constant 0 : i32
        %dma_start3A_43 = arith.constant 0 : i32
        %dma_start3A_44 = tpu.memref_slice %arg8[%dma_start3A_41, %dma_start3A_42, %dma_start3A_43] : memref<32x2x128xi32, #tpu.memory_space<vmem>> -> memref<10x2x128xi32, #tpu.memory_space<vmem>>
        %dma_start3A_45 = arith.constant 0 : i32
        %dma_start3A_46 = arith.constant 0 : i32
        %dma_start3A_47 = tpu.memref_slice %arg3[%add3A_17, %dma_start3A_45, %dma_start3A_46] : memref<50000x2x128xi32, #tpu.memory_space<hbm>> -> memref<10x2x128xi32, #tpu.memory_space<hbm>>
        tpu.enqueue_dma source(%dma_start3A_47 : memref<10x2x128xi32, #tpu.memory_space<hbm>>) target(%dma_start3A_44 : memref<10x2x128xi32, #tpu.memory_space<vmem>>) target_semaphore(%run_scoped3A : memref<!tpu.dma_semaphore, #tpu.memory_space<semaphore_mem>>)
        %dma_wait3A = arith.constant 0 : i32
        %dma_wait3A_48 = arith.constant 0 : i32
        %dma_wait3A_49 = arith.constant 0 : i32
        %dma_wait3A_50 = tpu.memref_slice %arg8[%dma_wait3A, %dma_wait3A_48, %dma_wait3A_49] : memref<32x2x128xi32, #tpu.memory_space<vmem>> -> memref<10x2x128xi32, #tpu.memory_space<vmem>>
        %dma_wait3A_51 = arith.constant 0 : i32
        %dma_wait3A_52 = arith.constant 0 : i32
        %dma_wait3A_53 = tpu.memref_slice %arg3[%add3A_17, %dma_wait3A_51, %dma_wait3A_52] : memref<50000x2x128xi32, #tpu.memory_space<hbm>> -> memref<10x2x128xi32, #tpu.memory_space<hbm>>
        %dma_wait3A_54 = arith.constant 0 : i32
        %dma_wait3A_55 = arith.constant 0 : i32
        %dma_wait3A_56 = arith.constant 0 : i32
        %dma_wait3A_57 = tpu.memref_slice %arg8[%dma_wait3A_54, %dma_wait3A_55, %dma_wait3A_56] : memref<32x2x128xi32, #tpu.memory_space<vmem>> -> memref<10x2x128xi32, #tpu.memory_space<vmem>>
        %dma_wait3A_58 = arith.constant 0 : i32
        %dma_wait3A_59 = arith.constant 0 : i32
        %dma_wait3A_60 = tpu.memref_slice %arg3[%add3A_17, %dma_wait3A_58, %dma_wait3A_59] : memref<50000x2x128xi32, #tpu.memory_space<hbm>> -> memref<10x2x128xi32, #tpu.memory_space<hbm>>
        tpu.wait_dma2 semaphore(%run_scoped3A : memref<!tpu.dma_semaphore, #tpu.memory_space<semaphore_mem>>) src(%dma_wait3A_60 : memref<10x2x128xi32, #tpu.memory_space<hbm>>) dst(%dma_wait3A_57 : memref<10x2x128xi32, #tpu.memory_space<vmem>>)
        tpu.yield
      }) : () -> ()
    } else {
    }
    %while3A = arith.constant 0 : i32
    %while3A_25 = arith.constant 0 : i32
    %while3A_26 = arith.subi %add3A_10, %while3A_25 : i32
    %while3A_27 = arith.addi %while3A_25, %while3A_26 : i32
    %while3A_28 = arith.constant 1 : i32
    %while3A_29 = arith.divsi %while3A_26, %while3A_28 : i32
    %while3A_30 = arith.muli %while3A_29, %while3A_28 : i32
    %while3A_31 = arith.addi %while3A_25, %while3A_30 : i32
    %while3A_32 = arith.constant 1 : i32
    scf.for %while3A_35 = %while3A_25 to %while3A_31 step %while3A_32  : i32 {
      %run_scoped3A = arith.constant 0 : i32
      "tpu.region"() ({
        %run_scoped3A_37 = tpu.sem_alloc : memref<!tpu.dma_semaphore, #tpu.memory_space<semaphore_mem>>
        %dma_start3A = arith.constant 0 : i32
        %dma_start3A_38 = tpu.memref_slice %arg8[%while3A_35, %run_scoped3A, %dma_start3A] : memref<32x2x128xi32, #tpu.memory_space<vmem>> -> memref<1x1x128xi32, #tpu.memory_space<vmem>>
        %dma_start3A_39 = tpu.memref_squeeze %dma_start3A_38 : memref<1x1x128xi32, #tpu.memory_space<vmem>> -> memref<128xi32, #tpu.memory_space<vmem>>
        %dma_start3A_40 = arith.constant 0 : i32
        %dma_start3A_41 = arith.constant 0 : i32
        %dma_start3A_42 = tpu.memref_slice %arg6[%dma_start3A_40, %dma_start3A_41] : memref<100096x8xf32, #tpu.memory_space<vmem_shared>> -> memref<100096x8xf32, #tpu.memory_space<vmem_shared>>
        tpu.enqueue_indirect_dma source(%dma_start3A_42 : memref<100096x8xf32, #tpu.memory_space<vmem_shared>>) target(%arg9 : memref<128x8xf32, #tpu.memory_space<vmem>>) offsets(%dma_start3A_39 : memref<128xi32, #tpu.memory_space<vmem>>) semaphore(%run_scoped3A_37 : memref<!tpu.dma_semaphore, #tpu.memory_space<semaphore_mem>>)
        %dma_wait3A = arith.constant 0 : i32
        %dma_wait3A_43 = tpu.memref_slice %arg8[%while3A_35, %run_scoped3A, %dma_wait3A] : memref<32x2x128xi32, #tpu.memory_space<vmem>> -> memref<1x1x128xi32, #tpu.memory_space<vmem>>
        %dma_wait3A_44 = tpu.memref_squeeze %dma_wait3A_43 : memref<1x1x128xi32, #tpu.memory_space<vmem>> -> memref<128xi32, #tpu.memory_space<vmem>>
        %dma_wait3A_45 = arith.constant 0 : i32
        %dma_wait3A_46 = arith.constant 0 : i32
        %dma_wait3A_47 = tpu.memref_slice %arg6[%dma_wait3A_45, %dma_wait3A_46] : memref<100096x8xf32, #tpu.memory_space<vmem_shared>> -> memref<100096x8xf32, #tpu.memory_space<vmem_shared>>
        tpu.wait_indirect_dma semaphore(%run_scoped3A_37 : memref<!tpu.dma_semaphore, #tpu.memory_space<semaphore_mem>>) src(%dma_wait3A_47 : memref<100096x8xf32, #tpu.memory_space<vmem_shared>>) dst(%arg9 : memref<128x8xf32, #tpu.memory_space<vmem>>)
        tpu.yield
      }) : () -> ()
      %run_scoped3A_36 = arith.constant 1 : i32
      "tpu.region"() ({
        %run_scoped3A_37 = tpu.sem_alloc : memref<!tpu.dma_semaphore, #tpu.memory_space<semaphore_mem>>
        %dma_start3A = arith.constant 0 : i32
        %dma_start3A_38 = tpu.memref_slice %arg8[%while3A_35, %run_scoped3A_36, %dma_start3A] : memref<32x2x128xi32, #tpu.memory_space<vmem>> -> memref<1x1x128xi32, #tpu.memory_space<vmem>>
        %dma_start3A_39 = tpu.memref_squeeze %dma_start3A_38 : memref<1x1x128xi32, #tpu.memory_space<vmem>> -> memref<128xi32, #tpu.memory_space<vmem>>
        %dma_start3A_40 = arith.constant 0 : i32
        %dma_start3A_41 = arith.constant 0 : i32
        %dma_start3A_42 = tpu.memref_slice %arg7[%dma_start3A_40, %dma_start3A_41] : memref<100096x8xf32, #tpu.memory_space<vmem_shared>> -> memref<100096x8xf32, #tpu.memory_space<vmem_shared>>
        tpu.enqueue_indirect_dma source(%arg9 : memref<128x8xf32, #tpu.memory_space<vmem>>) target(%dma_start3A_42 : memref<100096x8xf32, #tpu.memory_space<vmem_shared>>) offsets(%dma_start3A_39 : memref<128xi32, #tpu.memory_space<vmem>>) semaphore(%run_scoped3A_37 : memref<!tpu.dma_semaphore, #tpu.memory_space<semaphore_mem>>) {add = true}
        %dma_wait3A = arith.constant 0 : i32
        %dma_wait3A_43 = tpu.memref_slice %arg8[%while3A_35, %run_scoped3A_36, %dma_wait3A] : memref<32x2x128xi32, #tpu.memory_space<vmem>> -> memref<1x1x128xi32, #tpu.memory_space<vmem>>
        %dma_wait3A_44 = tpu.memref_squeeze %dma_wait3A_43 : memref<1x1x128xi32, #tpu.memory_space<vmem>> -> memref<128xi32, #tpu.memory_space<vmem>>
        %dma_wait3A_45 = arith.constant 0 : i32
        %dma_wait3A_46 = arith.constant 0 : i32
        %dma_wait3A_47 = tpu.memref_slice %arg7[%dma_wait3A_45, %dma_wait3A_46] : memref<100096x8xf32, #tpu.memory_space<vmem_shared>> -> memref<100096x8xf32, #tpu.memory_space<vmem_shared>>
        tpu.wait_indirect_dma semaphore(%run_scoped3A_37 : memref<!tpu.dma_semaphore, #tpu.memory_space<semaphore_mem>>) src(%arg9 : memref<128x8xf32, #tpu.memory_space<vmem>>) dst(%dma_wait3A_47 : memref<100096x8xf32, #tpu.memory_space<vmem_shared>>)
        tpu.yield
      }) : () -> ()
    }
    %while3A_33 = arith.constant 1 : i32
    scf.for %while3A_35 = %while3A_31 to %while3A_27 step %while3A_33  : i32 {
      %run_scoped3A = arith.constant 0 : i32
      "tpu.region"() ({
        %run_scoped3A_37 = tpu.sem_alloc : memref<!tpu.dma_semaphore, #tpu.memory_space<semaphore_mem>>
        %dma_start3A = arith.constant 0 : i32
        %dma_start3A_38 = tpu.memref_slice %arg8[%while3A_35, %run_scoped3A, %dma_start3A] : memref<32x2x128xi32, #tpu.memory_space<vmem>> -> memref<1x1x128xi32, #tpu.memory_space<vmem>>
        %dma_start3A_39 = tpu.memref_squeeze %dma_start3A_38 : memref<1x1x128xi32, #tpu.memory_space<vmem>> -> memref<128xi32, #tpu.memory_space<vmem>>
        %dma_start3A_40 = arith.constant 0 : i32
        %dma_start3A_41 = arith.constant 0 : i32
        %dma_start3A_42 = tpu.memref_slice %arg6[%dma_start3A_40, %dma_start3A_41] : memref<100096x8xf32, #tpu.memory_space<vmem_shared>> -> memref<100096x8xf32, #tpu.memory_space<vmem_shared>>
        tpu.enqueue_indirect_dma source(%dma_start3A_42 : memref<100096x8xf32, #tpu.memory_space<vmem_shared>>) target(%arg9 : memref<128x8xf32, #tpu.memory_space<vmem>>) offsets(%dma_start3A_39 : memref<128xi32, #tpu.memory_space<vmem>>) semaphore(%run_scoped3A_37 : memref<!tpu.dma_semaphore, #tpu.memory_space<semaphore_mem>>)
        %dma_wait3A = arith.constant 0 : i32
        %dma_wait3A_43 = tpu.memref_slice %arg8[%while3A_35, %run_scoped3A, %dma_wait3A] : memref<32x2x128xi32, #tpu.memory_space<vmem>> -> memref<1x1x128xi32, #tpu.memory_space<vmem>>
        %dma_wait3A_44 = tpu.memref_squeeze %dma_wait3A_43 : memref<1x1x128xi32, #tpu.memory_space<vmem>> -> memref<128xi32, #tpu.memory_space<vmem>>
        %dma_wait3A_45 = arith.constant 0 : i32
        %dma_wait3A_46 = arith.constant 0 : i32
        %dma_wait3A_47 = tpu.memref_slice %arg6[%dma_wait3A_45, %dma_wait3A_46] : memref<100096x8xf32, #tpu.memory_space<vmem_shared>> -> memref<100096x8xf32, #tpu.memory_space<vmem_shared>>
        tpu.wait_indirect_dma semaphore(%run_scoped3A_37 : memref<!tpu.dma_semaphore, #tpu.memory_space<semaphore_mem>>) src(%dma_wait3A_47 : memref<100096x8xf32, #tpu.memory_space<vmem_shared>>) dst(%arg9 : memref<128x8xf32, #tpu.memory_space<vmem>>)
        tpu.yield
      }) : () -> ()
      %run_scoped3A_36 = arith.constant 1 : i32
      "tpu.region"() ({
        %run_scoped3A_37 = tpu.sem_alloc : memref<!tpu.dma_semaphore, #tpu.memory_space<semaphore_mem>>
        %dma_start3A = arith.constant 0 : i32
        %dma_start3A_38 = tpu.memref_slice %arg8[%while3A_35, %run_scoped3A_36, %dma_start3A] : memref<32x2x128xi32, #tpu.memory_space<vmem>> -> memref<1x1x128xi32, #tpu.memory_space<vmem>>
        %dma_start3A_39 = tpu.memref_squeeze %dma_start3A_38 : memref<1x1x128xi32, #tpu.memory_space<vmem>> -> memref<128xi32, #tpu.memory_space<vmem>>
        %dma_start3A_40 = arith.constant 0 : i32
        %dma_start3A_41 = arith.constant 0 : i32
        %dma_start3A_42 = tpu.memref_slice %arg7[%dma_start3A_40, %dma_start3A_41] : memref<100096x8xf32, #tpu.memory_space<vmem_shared>> -> memref<100096x8xf32, #tpu.memory_space<vmem_shared>>
        tpu.enqueue_indirect_dma source(%arg9 : memref<128x8xf32, #tpu.memory_space<vmem>>) target(%dma_start3A_42 : memref<100096x8xf32, #tpu.memory_space<vmem_shared>>) offsets(%dma_start3A_39 : memref<128xi32, #tpu.memory_space<vmem>>) semaphore(%run_scoped3A_37 : memref<!tpu.dma_semaphore, #tpu.memory_space<semaphore_mem>>) {add = true}
        %dma_wait3A = arith.constant 0 : i32
        %dma_wait3A_43 = tpu.memref_slice %arg8[%while3A_35, %run_scoped3A_36, %dma_wait3A] : memref<32x2x128xi32, #tpu.memory_space<vmem>> -> memref<1x1x128xi32, #tpu.memory_space<vmem>>
        %dma_wait3A_44 = tpu.memref_squeeze %dma_wait3A_43 : memref<1x1x128xi32, #tpu.memory_space<vmem>> -> memref<128xi32, #tpu.memory_space<vmem>>
        %dma_wait3A_45 = arith.constant 0 : i32
        %dma_wait3A_46 = arith.constant 0 : i32
        %dma_wait3A_47 = tpu.memref_slice %arg7[%dma_wait3A_45, %dma_wait3A_46] : memref<100096x8xf32, #tpu.memory_space<vmem_shared>> -> memref<100096x8xf32, #tpu.memory_space<vmem_shared>>
        tpu.wait_indirect_dma semaphore(%run_scoped3A_37 : memref<!tpu.dma_semaphore, #tpu.memory_space<semaphore_mem>>) src(%arg9 : memref<128x8xf32, #tpu.memory_space<vmem>>) dst(%dma_wait3A_47 : memref<100096x8xf32, #tpu.memory_space<vmem_shared>>)
        tpu.yield
      }) : () -> ()
    }
    %barrier3A_34 = arith.constant 0 : index
    tpu.barrier barrier_id(%barrier3A_34)
    "tpu.region"() ({
      %run_scoped3A = tpu.sem_alloc : memref<!tpu.dma_semaphore, #tpu.memory_space<semaphore_mem>>
      %dma_start3A = arith.constant 0 : i32
      %dma_start3A_35 = arith.constant 0 : i32
      %dma_start3A_36 = tpu.memref_slice %arg5[%arg0, %dma_start3A, %dma_start3A_35] : memref<2x100096x8xf32, #tpu.memory_space<hbm>> -> memref<1x100096x8xf32, #tpu.memory_space<hbm>>
      %dma_start3A_37 = tpu.memref_squeeze %dma_start3A_36 : memref<1x100096x8xf32, #tpu.memory_space<hbm>> -> memref<100096x8xf32, #tpu.memory_space<hbm>>
      %dma_start3A_38 = arith.constant 0 : i32
      %dma_start3A_39 = tpu.memref_slice %dma_start3A_37[%mul3A_2, %dma_start3A_38] : memref<100096x8xf32, #tpu.memory_space<hbm>> -> memref<6256x8xf32, #tpu.memory_space<hbm>>
      %dma_start3A_40 = arith.constant 0 : i32
      %dma_start3A_41 = tpu.memref_slice %arg7[%mul3A_2, %dma_start3A_40] : memref<100096x8xf32, #tpu.memory_space<vmem_shared>> -> memref<6256x8xf32, #tpu.memory_space<vmem_shared>>
      tpu.enqueue_dma source(%dma_start3A_41 : memref<6256x8xf32, #tpu.memory_space<vmem_shared>>) target(%dma_start3A_39 : memref<6256x8xf32, #tpu.memory_space<hbm>>) target_semaphore(%run_scoped3A : memref<!tpu.dma_semaphore, #tpu.memory_space<semaphore_mem>>)
      %dma_wait3A = arith.constant 0 : i32
      %dma_wait3A_42 = arith.constant 0 : i32
      %dma_wait3A_43 = tpu.memref_slice %arg5[%arg0, %dma_wait3A, %dma_wait3A_42] : memref<2x100096x8xf32, #tpu.memory_space<hbm>> -> memref<1x100096x8xf32, #tpu.memory_space<hbm>>
      %dma_wait3A_44 = tpu.memref_squeeze %dma_wait3A_43 : memref<1x100096x8xf32, #tpu.memory_space<hbm>> -> memref<100096x8xf32, #tpu.memory_space<hbm>>
      %dma_wait3A_45 = arith.constant 0 : i32
      %dma_wait3A_46 = tpu.memref_slice %dma_wait3A_44[%mul3A_2, %dma_wait3A_45] : memref<100096x8xf32, #tpu.memory_space<hbm>> -> memref<6256x8xf32, #tpu.memory_space<hbm>>
      %dma_wait3A_47 = arith.constant 0 : i32
      %dma_wait3A_48 = tpu.memref_slice %arg7[%mul3A_2, %dma_wait3A_47] : memref<100096x8xf32, #tpu.memory_space<vmem_shared>> -> memref<6256x8xf32, #tpu.memory_space<vmem_shared>>
      tpu.wait_dma2 semaphore(%run_scoped3A : memref<!tpu.dma_semaphore, #tpu.memory_space<semaphore_mem>>) src(%dma_wait3A_48 : memref<6256x8xf32, #tpu.memory_space<vmem_shared>>) dst(%dma_wait3A_46 : memref<6256x8xf32, #tpu.memory_space<hbm>>)
      tpu.yield
    }) : () -> ()
    return
  }
}

module attributes {stable_mosaic.version = 14 : i64} {
  func.func @_mlp_body(%arg0: i32, %arg1: memref<368x128xf32, #tpu.memory_space<vmem>>, %arg2: memref<2x368x128xf32, #tpu.memory_space<vmem>>, %arg3: memref<1xf32, #tpu.memory_space<smem>>, %arg4: memref<128x320xf32, #tpu.memory_space<vmem>>, %arg5: memref<320x64xf32, #tpu.memory_space<vmem>>, %arg6: memref<64x800xf32, #tpu.memory_space<vmem>>, %arg7: memref<800x400xf32, #tpu.memory_space<vmem>>, %arg8: memref<400x16xf32, #tpu.memory_space<vmem>>, %arg9: memref<1x320xf32, #tpu.memory_space<vmem>>, %arg10: memref<1x64xf32, #tpu.memory_space<vmem>>, %arg11: memref<1x800xf32, #tpu.memory_space<vmem>>, %arg12: memref<1x400xf32, #tpu.memory_space<vmem>>, %arg13: memref<1x16xf32, #tpu.memory_space<vmem>>, %arg14: memref<368x16xf32, #tpu.memory_space<vmem>>) attributes {dimension_semantics = [#tpu.dimension_semantics<arbitrary>], iteration_bounds = array<i64: 17>, scalar_prefetch = 0 : i64, scratch_operands = 0 : i64, tpu.core_type = #tpu.core_type<tc>, window_params = [{transform_indices = @transform_0, window_bounds = array<i64: 368, 128>}, {transform_indices = @transform_1, window_bounds = array<i64: 2, 368, 128>}, {transform_indices = @transform_2, window_bounds = array<i64: 1>}, {pipeline_mode = #tpu.pipeline_mode<synchronous>, transform_indices = @transform_3, window_bounds = array<i64: 128, 320>}, {pipeline_mode = #tpu.pipeline_mode<synchronous>, transform_indices = @transform_4, window_bounds = array<i64: 320, 64>}, {pipeline_mode = #tpu.pipeline_mode<synchronous>, transform_indices = @transform_5, window_bounds = array<i64: 64, 800>}, {pipeline_mode = #tpu.pipeline_mode<synchronous>, transform_indices = @transform_6, window_bounds = array<i64: 800, 400>}, {pipeline_mode = #tpu.pipeline_mode<synchronous>, transform_indices = @transform_7, window_bounds = array<i64: 400, 16>}, {pipeline_mode = #tpu.pipeline_mode<synchronous>, transform_indices = @transform_8, window_bounds = array<i64: 1, 320>}, {pipeline_mode = #tpu.pipeline_mode<synchronous>, transform_indices = @transform_9, window_bounds = array<i64: 1, 64>}, {pipeline_mode = #tpu.pipeline_mode<synchronous>, transform_indices = @transform_10, window_bounds = array<i64: 1, 800>}, {pipeline_mode = #tpu.pipeline_mode<synchronous>, transform_indices = @transform_11, window_bounds = array<i64: 1, 400>}, {pipeline_mode = #tpu.pipeline_mode<synchronous>, transform_indices = @transform_12, window_bounds = array<i64: 1, 16>}, {transform_indices = @transform_13, window_bounds = array<i64: 368, 16>}]} {
    %get3A = arith.constant 0 : index
    %get3A_0 = memref.load %arg3[%get3A] : memref<1xf32, #tpu.memory_space<smem>>
    %add3A = arith.constant 1.000000e+00 : f32
    %add3A_1 = arith.addf %add3A, %get3A_0 : f32
    %get3A_2 = arith.constant 0 : index
    %get3A_3 = arith.constant 0 : index
    %get3A_4 = vector.load %arg1[%get3A_2, %get3A_3] : memref<368x128xf32, #tpu.memory_space<vmem>>, vector<368x128xf32>
    %mul3A = vector.broadcast %add3A_1 : f32 to vector<368x128xf32>
    %mul3A_5 = arith.mulf %mul3A, %get3A_4 : vector<368x128xf32>
    %get3A_6 = arith.constant 0 : index
    %get3A_7 = arith.constant 0 : index
    %get3A_8 = arith.constant 0 : index
    %get3A_9 = vector.load %arg2[%get3A_6, %get3A_7, %get3A_8] : memref<2x368x128xf32, #tpu.memory_space<vmem>>, vector<1x368x128xf32>
    %get3A_10 = vector.shape_cast %get3A_9 : vector<1x368x128xf32> to vector<368x128xf32>
    %add3A_11 = arith.addf %mul3A_5, %get3A_10 : vector<368x128xf32>
    %get3A_12 = arith.constant 1 : index
    %get3A_13 = arith.constant 0 : index
    %get3A_14 = arith.constant 0 : index
    %get3A_15 = vector.load %arg2[%get3A_12, %get3A_13, %get3A_14] : memref<2x368x128xf32, #tpu.memory_space<vmem>>, vector<1x368x128xf32>
    %get3A_16 = vector.shape_cast %get3A_15 : vector<1x368x128xf32> to vector<368x128xf32>
    %add3A_17 = arith.addf %add3A_11, %get3A_16 : vector<368x128xf32>
    %get3A_18 = arith.constant 0 : index
    %get3A_19 = arith.constant 0 : index
    %get3A_20 = vector.load %arg4[%get3A_18, %get3A_19] : memref<128x320xf32, #tpu.memory_space<vmem>>, vector<128x320xf32>
    %dot_general3A = arith.constant dense<0.000000e+00> : vector<368x320xf32>
    %dot_general3A_21 = tpu.matmul %add3A_17, %get3A_20, %dot_general3A {dimension_numbers = #tpu.dot_dimension_numbers<[1], [0], [0], [1], [0, 0, 1, 1], [], []>, transpose_lhs_hint = false} : vector<368x128xf32>, vector<128x320xf32>, vector<368x320xf32> -> vector<368x320xf32>
    %get3A_22 = arith.constant 0 : index
    %get3A_23 = arith.constant 0 : index
    %get3A_24 = vector.load %arg9[%get3A_22, %get3A_23] : memref<1x320xf32, #tpu.memory_space<vmem>>, vector<1x320xf32>
    %add3A_25 = vector.broadcast %get3A_24 : vector<1x320xf32> to vector<368x320xf32>
    %add3A_26 = arith.addf %dot_general3A_21, %add3A_25 : vector<368x320xf32>
    %max3A = arith.constant 0.000000e+00 : f32
    %max3A_27 = vector.broadcast %max3A : f32 to vector<368x320xf32>
    %max3A_28 = arith.maximumf %add3A_26, %max3A_27 : vector<368x320xf32>
    %get3A_29 = arith.constant 0 : index
    %get3A_30 = arith.constant 0 : index
    %get3A_31 = vector.load %arg5[%get3A_29, %get3A_30] : memref<320x64xf32, #tpu.memory_space<vmem>>, vector<320x64xf32>
    %dot_general3A_32 = arith.constant dense<0.000000e+00> : vector<368x64xf32>
    %dot_general3A_33 = tpu.matmul %max3A_28, %get3A_31, %dot_general3A_32 {dimension_numbers = #tpu.dot_dimension_numbers<[1], [0], [0], [1], [0, 0, 1, 1], [], []>, transpose_lhs_hint = false} : vector<368x320xf32>, vector<320x64xf32>, vector<368x64xf32> -> vector<368x64xf32>
    %get3A_34 = arith.constant 0 : index
    %get3A_35 = arith.constant 0 : index
    %get3A_36 = vector.load %arg10[%get3A_34, %get3A_35] : memref<1x64xf32, #tpu.memory_space<vmem>>, vector<1x64xf32>
    %add3A_37 = vector.broadcast %get3A_36 : vector<1x64xf32> to vector<368x64xf32>
    %add3A_38 = arith.addf %dot_general3A_33, %add3A_37 : vector<368x64xf32>
    %get3A_39 = arith.constant 0 : index
    %get3A_40 = arith.constant 0 : index
    %get3A_41 = vector.load %arg6[%get3A_39, %get3A_40] : memref<64x800xf32, #tpu.memory_space<vmem>>, vector<64x800xf32>
    %dot_general3A_42 = arith.constant dense<0.000000e+00> : vector<368x800xf32>
    %dot_general3A_43 = tpu.matmul %add3A_38, %get3A_41, %dot_general3A_42 {dimension_numbers = #tpu.dot_dimension_numbers<[1], [0], [0], [1], [0, 0, 1, 1], [], []>, transpose_lhs_hint = false} : vector<368x64xf32>, vector<64x800xf32>, vector<368x800xf32> -> vector<368x800xf32>
    %get3A_44 = arith.constant 0 : index
    %get3A_45 = arith.constant 0 : index
    %get3A_46 = vector.load %arg11[%get3A_44, %get3A_45] : memref<1x800xf32, #tpu.memory_space<vmem>>, vector<1x800xf32>
    %add3A_47 = vector.broadcast %get3A_46 : vector<1x800xf32> to vector<368x800xf32>
    %add3A_48 = arith.addf %dot_general3A_43, %add3A_47 : vector<368x800xf32>
    %neg3A = arith.constant 0.000000e+00 : f32
    %neg3A_49 = vector.broadcast %neg3A : f32 to vector<368x800xf32>
    %neg3A_50 = arith.subf %neg3A_49, %add3A_48 : vector<368x800xf32>
    %exp3A = math.exp %neg3A_50 : vector<368x800xf32>
    %add3A_51 = arith.constant 1.000000e+00 : f32
    %add3A_52 = vector.broadcast %add3A_51 : f32 to vector<368x800xf32>
    %add3A_53 = arith.addf %add3A_52, %exp3A : vector<368x800xf32>
    %div3A = arith.constant 1.000000e+00 : f32
    %div3A_54 = vector.broadcast %div3A : f32 to vector<368x800xf32>
    %div3A_55 = arith.divf %div3A_54, %add3A_53 : vector<368x800xf32>
    %get3A_56 = arith.constant 0 : index
    %get3A_57 = arith.constant 0 : index
    %get3A_58 = vector.load %arg7[%get3A_56, %get3A_57] : memref<800x400xf32, #tpu.memory_space<vmem>>, vector<800x400xf32>
    %dot_general3A_59 = arith.constant dense<0.000000e+00> : vector<368x400xf32>
    %dot_general3A_60 = tpu.matmul %div3A_55, %get3A_58, %dot_general3A_59 {dimension_numbers = #tpu.dot_dimension_numbers<[1], [0], [0], [1], [0, 0, 1, 1], [], []>, transpose_lhs_hint = false} : vector<368x800xf32>, vector<800x400xf32>, vector<368x400xf32> -> vector<368x400xf32>
    %get3A_61 = arith.constant 0 : index
    %get3A_62 = arith.constant 0 : index
    %get3A_63 = vector.load %arg12[%get3A_61, %get3A_62] : memref<1x400xf32, #tpu.memory_space<vmem>>, vector<1x400xf32>
    %add3A_64 = vector.broadcast %get3A_63 : vector<1x400xf32> to vector<368x400xf32>
    %add3A_65 = arith.addf %dot_general3A_60, %add3A_64 : vector<368x400xf32>
    %neg3A_66 = arith.constant 0.000000e+00 : f32
    %neg3A_67 = vector.broadcast %neg3A_66 : f32 to vector<368x400xf32>
    %neg3A_68 = arith.subf %neg3A_67, %add3A_65 : vector<368x400xf32>
    %exp3A_69 = math.exp %neg3A_68 : vector<368x400xf32>
    %add3A_70 = arith.constant 1.000000e+00 : f32
    %add3A_71 = vector.broadcast %add3A_70 : f32 to vector<368x400xf32>
    %add3A_72 = arith.addf %add3A_71, %exp3A_69 : vector<368x400xf32>
    %div3A_73 = arith.constant 1.000000e+00 : f32
    %div3A_74 = vector.broadcast %div3A_73 : f32 to vector<368x400xf32>
    %div3A_75 = arith.divf %div3A_74, %add3A_72 : vector<368x400xf32>
    %get3A_76 = arith.constant 0 : index
    %get3A_77 = arith.constant 0 : index
    %get3A_78 = vector.load %arg8[%get3A_76, %get3A_77] : memref<400x16xf32, #tpu.memory_space<vmem>>, vector<400x16xf32>
    %dot_general3A_79 = arith.constant dense<0.000000e+00> : vector<368x16xf32>
    %dot_general3A_80 = tpu.matmul %div3A_75, %get3A_78, %dot_general3A_79 {dimension_numbers = #tpu.dot_dimension_numbers<[1], [0], [0], [1], [0, 0, 1, 1], [], []>, transpose_lhs_hint = false} : vector<368x400xf32>, vector<400x16xf32>, vector<368x16xf32> -> vector<368x16xf32>
    %get3A_81 = arith.constant 0 : index
    %get3A_82 = arith.constant 0 : index
    %get3A_83 = vector.load %arg13[%get3A_81, %get3A_82] : memref<1x16xf32, #tpu.memory_space<vmem>>, vector<1x16xf32>
    %add3A_84 = vector.broadcast %get3A_83 : vector<1x16xf32> to vector<368x16xf32>
    %add3A_85 = arith.addf %dot_general3A_80, %add3A_84 : vector<368x16xf32>
    %neg3A_86 = arith.constant 0.000000e+00 : f32
    %neg3A_87 = vector.broadcast %neg3A_86 : f32 to vector<368x16xf32>
    %neg3A_88 = arith.subf %neg3A_87, %add3A_85 : vector<368x16xf32>
    %exp3A_89 = math.exp %neg3A_88 : vector<368x16xf32>
    %add3A_90 = arith.constant 1.000000e+00 : f32
    %add3A_91 = vector.broadcast %add3A_90 : f32 to vector<368x16xf32>
    %add3A_92 = arith.addf %add3A_91, %exp3A_89 : vector<368x16xf32>
    %div3A_93 = arith.constant 1.000000e+00 : f32
    %div3A_94 = vector.broadcast %div3A_93 : f32 to vector<368x16xf32>
    %div3A_95 = arith.divf %div3A_94, %add3A_92 : vector<368x16xf32>
    %swap3A = arith.constant 0 : index
    %swap3A_96 = arith.constant 0 : index
    %swap3A_97 = vector.load %arg14[%swap3A, %swap3A_96] : memref<368x16xf32, #tpu.memory_space<vmem>>, vector<368x16xf32>
    tpu.vector_store %arg14[%swap3A, %swap3A_96], %div3A_95 {strides = array<i32>} : memref<368x16xf32, #tpu.memory_space<vmem>>, vector<368x16xf32>,
    return
  }
  func.func @transform_0(%arg0: i32) -> (i32, i32) {
    %c0_i32 = arith.constant 0 : i32
    %c0_i32_0 = arith.constant 0 : i32
    return %arg0, %c0_i32 : i32, i32
  }
  func.func @transform_1(%arg0: i32) -> (i32, i32, i32) {
    %c0_i32 = arith.constant 0 : i32
    %c0_i32_0 = arith.constant 0 : i32
    %c0_i32_1 = arith.constant 0 : i32
    return %c0_i32, %arg0, %c0_i32_0 : i32, i32, i32
  }
  func.func @transform_2(%arg0: i32) -> i32 {
    %c0_i32 = arith.constant 0 : i32
    %c0_i32_0 = arith.constant 0 : i32
    return %c0_i32 : i32
  }
  func.func @transform_3(%arg0: i32) -> (i32, i32) {
    %c0_i32 = arith.constant 0 : i32
    %c0_i32_0 = arith.constant 0 : i32
    %c0_i32_1 = arith.constant 0 : i32
    return %c0_i32, %c0_i32_0 : i32, i32
  }
  func.func @transform_4(%arg0: i32) -> (i32, i32) {
    %c0_i32 = arith.constant 0 : i32
    %c0_i32_0 = arith.constant 0 : i32
    %c0_i32_1 = arith.constant 0 : i32
    return %c0_i32, %c0_i32_0 : i32, i32
  }
  func.func @transform_5(%arg0: i32) -> (i32, i32) {
    %c0_i32 = arith.constant 0 : i32
    %c0_i32_0 = arith.constant 0 : i32
    %c0_i32_1 = arith.constant 0 : i32
    return %c0_i32, %c0_i32_0 : i32, i32
  }
  func.func @transform_6(%arg0: i32) -> (i32, i32) {
    %c0_i32 = arith.constant 0 : i32
    %c0_i32_0 = arith.constant 0 : i32
    %c0_i32_1 = arith.constant 0 : i32
    return %c0_i32, %c0_i32_0 : i32, i32
  }
  func.func @transform_7(%arg0: i32) -> (i32, i32) {
    %c0_i32 = arith.constant 0 : i32
    %c0_i32_0 = arith.constant 0 : i32
    %c0_i32_1 = arith.constant 0 : i32
    return %c0_i32, %c0_i32_0 : i32, i32
  }
  func.func @transform_8(%arg0: i32) -> (i32, i32) {
    %c0_i32 = arith.constant 0 : i32
    %c0_i32_0 = arith.constant 0 : i32
    %c0_i32_1 = arith.constant 0 : i32
    return %c0_i32, %c0_i32_0 : i32, i32
  }
  func.func @transform_9(%arg0: i32) -> (i32, i32) {
    %c0_i32 = arith.constant 0 : i32
    %c0_i32_0 = arith.constant 0 : i32
    %c0_i32_1 = arith.constant 0 : i32
    return %c0_i32, %c0_i32_0 : i32, i32
  }
  func.func @transform_10(%arg0: i32) -> (i32, i32) {
    %c0_i32 = arith.constant 0 : i32
    %c0_i32_0 = arith.constant 0 : i32
    %c0_i32_1 = arith.constant 0 : i32
    return %c0_i32, %c0_i32_0 : i32, i32
  }
  func.func @transform_11(%arg0: i32) -> (i32, i32) {
    %c0_i32 = arith.constant 0 : i32
    %c0_i32_0 = arith.constant 0 : i32
    %c0_i32_1 = arith.constant 0 : i32
    return %c0_i32, %c0_i32_0 : i32, i32
  }
  func.func @transform_12(%arg0: i32) -> (i32, i32) {
    %c0_i32 = arith.constant 0 : i32
    %c0_i32_0 = arith.constant 0 : i32
    %c0_i32_1 = arith.constant 0 : i32
    return %c0_i32, %c0_i32_0 : i32, i32
  }
  func.func @transform_13(%arg0: i32) -> (i32, i32) {
    %c0_i32 = arith.constant 0 : i32
    %c0_i32_0 = arith.constant 0 : i32
    return %arg0, %c0_i32 : i32, i32
  }
}

</mosaic_0001>

<sc_bundles>
// kernel: kernel.4.cloned.1.call-start
scs
__scs_entry_jumppad:
0x0: {  	(pc) =	sbr.rel $0x88, $3  }
0x1: {  	(tag) =	ssettag $0x0;
	lr =	simm.s32 $0x1  }
0x2: {  	[smem:$0x3F94] =	sst lr;
	_ =	strace $0xD0000000  }
0x3: {  	_ = 	snop  }
0x4: {  	_ = 	snop  }
0x5: {  	_ = 	snop  }
0x6: {  	_ = 	snop  }
0x7: {  	_ = 	snop  }
__scs_overlays_trampoline_lowered:
0x8: {  	[smem:$0x3FA3] =	sst s0  }
0x9: {  	[smem:$0x3FA4] =	sst s1  }
0xa: {  	[smem:$0x3FA5] =	sst s2  }
0xb: {  	[smem:$0x3FA6] =	sst s3  }
0xc: {  	[smem:$0x3FA7] =	sst s4  }
0xd: {  	[smem:$0x3FA8] =	sst s5  }
0xe: {  	[smem:$0x3FA9] =	sst s6  }
0xf: {  	[smem:$0x3FAA] =	sst s7  }
0x10: {  	[smem:$0x3FAB] =	sst s8  }
0x11: {  	[smem:$0x3FAC] =	sst s9;
	s0 =	simm.s32 @!p0 $0x0  }
0x12: {  	s1 =	sld [smem:$0x3F92];
	s0 =	simm.s32 @p0 $0x1  }
0x13: {  	[smem:$0x3FAD] =	sst s0;
	s0 =	simm.s32 @!p1 $0x0  }
0x14: {  	s2 =	sld [smem:$0x3F91];
	s0 =	simm.s32 @p1 $0x1  }
0x15: {  	[smem:$0x3FAE] =	sst s0;
	s0 =	simm.s32 @!p2 $0x0  }
0x16: {  	s3 =	sld [smem:$0x3FDB];
	s0 =	simm.s32 @p2 $0x1  }
0x17: {  	s4 =	simm.s32 $0x1BF5;
	[smem:$0x3FB0] =	sst s0  }
0x18: {  	s0 =	sld [smem:$0x3F93];
	_ =	swait.ge [sflag:s4], $0x0  }
0x19: {  	s7 =	sld [smem:$0x3F94]  }
0x1a: {  	s8 =	sadd.s32 $0xFFFFE003, lr  }
0x1b: {  	s9 =	sadd.s32 $0xFFFFFEF7, lr;
	s5 =	simm.s32 $0xFFFFFFFF;
	p2 =	slt.u32 s8, $0xFFFFF086  }
0x1c: {  	p1 =	slt.u32 s9, $0xF7A;
	s5 =	simm.s32 @!p2 $0x0  }
0x1d: {  	s5 =	simm.s32 @p1 $0x1;
	p0 =	seq.s32 s7, s2  }
0x1e: {  	s7 =	smul.u32 @!p0 $0xF7A, s2;
	p2 =	seq.s32 @!p0 s5, $0x0  }
0x1f: {  	s9 =	smul.u32 $0xF7A, s1;
	s8 =	simm.s32 @!p0 $0x1BF5;
	p2 =	por !p2, p0  }
0x20: {  	[sflag:s8] =	ssyncset.s32 @!p0 $0xFFFFF086;
	s6 =	sadd.s32 @!p0 s3, s7;
	s7 =	simm.s32 @!p0 $0x108  }
0x21: {  	s3 =	sadd.s32 s3, s9;
	s6 =	sadd.s32 @!p0 $0x88, s6;
	s7 =	simm.s32 @p2 $0x1082  }
0x22: {  	[simem:s7], [sflag:s8] =	dma.local @!p0 [hbm:s6], $0xF7A  }
0x23: {  	s9 =	sor.u32 $0xD0000000, s2;
	s6 =	simm.s32 $0x108;
	_ =	swait.ge @!p0 [sflag:s8], $0x0  }
0x24: {  	s3 =	sadd.s32 $0x88, s3;
	s6 =	simm.s32 @!p1 $0x1082;
	[sflag:s4] =	ssyncset.s32 $0xFFFFF086  }
0x25: {  	[simem:s6], [sflag:s4] =	dma.local [hbm:s3], $0xF7A  }
0x26: {  	[smem:$0x3F94] =	sst s1;
	(tag) =	ssettag s2;
	_ =	strace s9  }
0x27: {  	s1 =	sld [smem:$0x3FA4]  }
0x28: {  	s2 =	sld [smem:$0x3FA5]  }
0x29: {  	s4 =	sld [smem:$0x3FA7]  }
0x2a: {  	p0 =	seq.s32 s5, $0x0;
	s5 =	sld [smem:$0x3FA8]  }
0x2b: {  	s6 =	sld [smem:$0x3FA9]  }
0x2c: {  	s7 =	sld [smem:$0x3FAA]  }
0x2d: {  	s3 =	simm.s32 $0x108;
	s8 =	sld [smem:$0x3FAB]  }
0x2e: {  	s3 =	simm.s32 @!p0 $0x1082;
	s9 =	sld [smem:$0x3FAC]  }
0x2f: {  	lr =	sadd.s32 s0, s3;
	s0 =	sld [smem:$0x3FA3]  }
0x30: {  	s3 =	sld [smem:$0x3FA6]  }
0x31: {  	[smem:$0x3FAF] =	sst s10  }
0x32: {  	s10 =	sld [smem:$0x3FAD];
	_ =	sdelay $0x3  }
0x33: {  	p0 =	seq.s32 s10, $0x1;
	s10 =	sld [smem:$0x3FAF];
	_ =	sdelay $0x3  }
0x34: {  	[smem:$0x3FAF] =	sst s10  }
0x35: {  	s10 =	sld [smem:$0x3FAE];
	_ =	sdelay $0x3  }
0x36: {  	p1 =	seq.s32 s10, $0x1;
	s10 =	sld [smem:$0x3FAF];
	_ =	sdelay $0x3  }
0x37: {  	[smem:$0x3FAF] =	sst s10  }
0x38: {  	s10 =	sld [smem:$0x3FB0]  }
0x39: {  	_ = 	snop;
	(pc) =	sbr.ind lr, $3  }
0x3a: {  	_ = 	snop  }
0x3b: {  	_ = 	snop  }
0x3c: {  	p2 =	seq.s32 s10, $0x1;
	s10 =	sld [smem:$0x3FAF]  }
0x3d: {  	_ =	shalt  }
0x3e: {  	_ =	shalt  }
0x3f: {  	_ =	shalt  }
0x40: {  	_ =	shalt  }
0x41: {  	_ =	shalt  }
0x42: {  	_ =	shalt  }
0x43: {  	_ =	shalt  }
0x44: {  	_ =	shalt  }
0x45: {  	_ =	shalt  }
0x46: {  	_ =	shalt  }
0x47: {  	_ =	shalt  }
0x48: {  	_ =	shalt  }
0x49: {  	_ =	shalt  }
0x4a: {  	_ =	shalt  }
0x4b: {  	_ =	shalt  }
0x4c: {  	_ =	shalt  }
0x4d: {  	_ =	shalt  }
0x4e: {  	_ =	shalt  }
0x4f: {  	_ =	shalt  }
0x50: {  	_ =	shalt  }
0x51: {  	_ =	shalt  }
0x52: {  	_ =	shalt  }
0x53: {  	_ =	shalt  }
0x54: {  	_ =	shalt  }
0x55: {  	_ =	shalt  }
0x56: {  	_ =	shalt  }
0x57: {  	_ =	shalt  }
0x58: {  	_ =	shalt  }
0x59: {  	_ =	shalt  }
0x5a: {  	_ =	shalt  }
0x5b: {  	_ =	shalt  }
0x5c: {  	_ =	shalt  }
0x5d: {  	_ =	shalt  }
0x5e: {  	_ =	shalt  }
0x5f: {  	_ =	shalt  }
0x60: {  	_ =	shalt  }
0x61: {  	_ =	shalt  }
0x62: {  	_ =	shalt  }
0x63: {  	_ =	shalt  }
0x64: {  	_ =	shalt  }
0x65: {  	_ =	shalt  }
0x66: {  	_ =	shalt  }
0x67: {  	_ =	shalt  }
0x68: {  	_ =	shalt  }
0x69: {  	_ =	shalt  }
0x6a: {  	_ =	shalt  }
0x6b: {  	_ =	shalt  }
0x6c: {  	_ =	shalt  }
0x6d: {  	_ =	shalt  }
0x6e: {  	_ =	shalt  }
0x6f: {  	_ =	shalt  }
0x70: {  	_ =	shalt  }
0x71: {  	_ =	shalt  }
0x72: {  	_ =	shalt  }
0x73: {  	_ =	shalt  }
0x74: {  	_ =	shalt  }
0x75: {  	_ =	shalt  }
0x76: {  	_ =	shalt  }
0x77: {  	_ =	shalt  }
0x78: {  	_ =	shalt  }
0x79: {  	_ =	shalt  }
0x7a: {  	_ =	shalt  }
0x7b: {  	_ =	shalt  }
0x7c: {  	_ =	shalt  }
0x7d: {  	_ =	shalt  }
0x7e: {  	_ =	shalt  }
0x7f: {  	_ =	shalt  }
0x80: {  	_ =	shalt  }
0x81: {  	_ =	shalt  }
0x82: {  	_ =	shalt  }
0x83: {  	_ =	shalt  }
0x84: {  	_ =	shalt  }
0x85: {  	_ =	shalt  }
0x86: {  	_ =	shalt  }
0x87: {  	_ =	shalt  }
.Lfunc_end0:
.L_simem_size_0:
called_computation_lowered:
.L_overlay_start_0:
0x88: {  	s2 =	sld [smem:$0x3FD9]  }
0x89: {  	s3 =	sld [smem:$0x3FFE];
	_ =	sdelay $0x1  }
0x8a: {  	s1 =	srdreg.scid  }
0x8b: {  	s0 =	sand.u32 $0x1, s1  }
0x8c: {  	s17 =	sshll.u32 s0, $0xA;
	s2 =	sadd.s32 s3, s2  }
0x8d: {  	s2 =	sadd.s32 s2, s17  }
0x8e: {  	[smem:$0x3FBB] =	sst s2  }
0x8f: {  	_ = 	snop  }
0x90: {  	s2 =	sld [smem:$0x3FC8];
	(tm) =	ssettm $0x1  }
0x91: {  	s18 =	sld [smem:$0x3FFB];
	_ =	sdelay $0x3  }
0x92: {  	_ =	strace s18  }
0x93: {  	s3 =	sld [smem:$0x3FFC];
	_ =	sdelay $0x3  }
0x94: {  	_ =	strace s3  }
0x95: {  	s3 =	sld [smem:$0x3FFD];
	_ =	sdelay $0x3  }
0x96: {  	_ =	strace s3  }
0x97: {  	_ =	strace $0x8FFFFFFF  }
0x98: {  	s19 =	sld [smem:$0x3FDB];
	_ =	sdelay $0x1  }
0x99: {  	s4 =	simm.s32 $_scs_section_size  }
0x9a: {  	s5 =	simm.s32 $_size__tile_overlayer_lowered;
	s6 =	simm.s32 $_tile_overlayer_lowered  }
0x9b: {  	s22 =	simm.s32 $0x1BFF;
	s21 =	sshll.u32 s6, $0x1;
	s3 =	sadd.s32 s4, s19  }
0x9c: {  	s7 =	simm.s32 $0x0;
	s20 =	sshll.u32 s5, $0x1;
	s5 =	sadd.s32 s21, s3  }
0x9d: {  	[timem:s7], [sflag:s22] =	dma.local [hbm:s5], s20  }
0x9e: {  	_ =	swait.ge [sflag:s22], s20  }
0x9f: {  	s4 =	ssub.s32 $0x0, s20;
	[sflag:s22] =	ssyncset.done $0x0  }
0xa0: {  	[sflag:s22] =	ssyncadd.s32 s4;
	_ =	sdelay $0x1  }
0xa1: {  	s23 =	simm.s32 $0x1B8B  }
0xa2: {  	_ =	swait.ge [sflag:s23], $0x1  }
0xa3: {  	[sflag:s23] =	ssyncset.done $0x0  }
0xa4: {  	s25 =	simm.s32 $0x1B8E;
	s24 =	sld [smem:$0x3FFE];
	[sflag:s23] =	ssyncadd.s32 $0xFFFFFFFF  }
0xa5: {  	s26 =	simm.s32 $execute0_lowered;
	[smem:$0x3FD2] =	sst s25  }
0xa6: {  	s5 =	sshll.u32 s26, $0x1;
	_ =	strace $0x80000046;
	[dreg:$0x1] =	wrdreg $0xFFFFFFFF  }
0xa7: {  	s28 =	simm.s32 $_size_execute0_lowered;
	s3 =	sadd.s32 s3, s5;
	[dreg:$0x0] =	wrdreg $0x0  }
0xa8: {  	s5 =	sshll.u32 s28, $0x1;
	[dreg:$0x2] =	wrdreg s3  }
0xa9: {  	[dreg:$0x3] =	wrdreg s5  }
0xaa: {  	[dreg:$0x4] =	wrdreg $0xC0  }
0xab: {  	_ =	task [dreg:s7], $0x5FFFF  }
0xac: {  	[dreg:$0x1] =	wrdreg $0xFFFFFFFF  }
0xad: {  	[dreg:$0x0] =	wrdreg $0x60  }
0xae: {  	[dreg:$0x2] =	wrdreg s24  }
0xaf: {  	[dreg:$0x3] =	wrdreg s2  }
0xb0: {  	[dreg:$0x4] =	wrdreg $0x0  }
0xb1: {  	[dreg:$0x5] =	wrdreg $0xC3800  }
0xb2: {  	[dreg:$0x6] =	wrdreg $0x9  }
0xb3: {  	_ =	task.clear_ibuf [dreg:s7], $0x7FFFF;
	_ =	strace $0x90000046  }
0xb4: {  	s29 =	simm.s32 $0x9;
	_ =	strace $0x80000048  }
0xb5: {  	_ =	swait.ge [sflag:s29], $0x1  }
0xb6: {  	[sflag:s29] =	ssyncadd.s32 $0xFFFFFFFF  }
0xb7: {  	_ =	strace $0x90000048  }
0xb8: {  	_ =	sfence  }
0xb9: {  	s30 =	sld [smem:$0x0];
	_ =	sdelay $0x2  }
0xba: {  	s31 =	sshll.u32 s1, $0xD;
	s1 =	sshrl.u32 s1, $0x2  }
0xbb: {  	s3 =	sand.u32 $0x4000, s31;
	s1 =	sadd.s32 s1, s30  }
0xbc: {  	s0 =	sor.u32 s3, s0;
	s1 =	sshll.u32 s1, $0x11  }
0xbd: {  	s0 =	sor.u32 s1, s0  }
0xbe: {  	s0 =	sadd.s32 $0x8F2B, s0  }
0xbf: {  	[sflag:s0] =	ssyncadd.remote.s32 $0x1  }
0xc0: {  	_ =	sfence.sel $0xFFFF  }
0xc1: {  	[dreg:$0x0] =	wrdreg $0xFFFFFFFF;
	(pc) =	sbr.abs _section_cstart, $3  }
0xc2: {  	[dreg:$0x1] =	wrdreg $0xFFFFFFFF  }
0xc3: {  	_ =	task.clear_ibuf [dreg:s7], $0x2FFFF;
	_ =	strace $0x9FFFFFFF  }
0xc4: {  	(tm) =	ssettm $0x7FFFFFFF  }
0xc5: {  	_ =	shalt  }
tec
execute0_lowered:
.L_overlay_start_1:
0x0: {  	(tag) =	ssettag $0x1  }
0x1: {  	s6 =	rddreg [dreg:$0x0]  }
0x2: {  	s11 =	rddreg [dreg:$0x1]  }
0x3: {  	s2 =	rddreg [dreg:$0x2]  }
0x4: {  	s3 =	rddreg [dreg:$0x3]  }
0x5: {  	s0 =	rddreg [dreg:$0x4]  }
0x6: {  	s1 =	stileid.u32;
	s4 =	simm.s32 $0x0;
	s5 =	srdreg.scid  }
0x7: {  	s19 =	simm.s32 $0x1;
	s20 =	simm.s32 $0x1AB00;
	s21 =	simm.s32 $0x2  }
0x8: {  	s8 =	smul.u32 $0xC380, s1;
	[smem:$0x7FF] =	sst s4;
	s5 =	sand.u32 $0x1, s5  }
0x9: {  	s29 =	sshll.u32 s1, $0x6;
	s17 =	smul.u32 $0x61A, s1;
	_ =	strace $0x80000047  }
0xa: {  	s7 =	smul.u32 $0x18700, s5;
	s10 =	ssub.s32 $0x2, s5;
	s12 =	sshll.u32 s5, $0x4  }
0xb: {  	s16 =	smul.u32 $0x61A0, s5;
	p0 =	sne.s32 s5, $0x0;
	s22 =	sshrl.u32 s8, $0x3  }
0xc: {  	s24 =	sshrl.u32 s10, $0x1;
	s25 =	sor.u32 s1, s12;
	s14 =	sadd.s32 s8, s2  }
0xd: {  	s30 =	sadd.s32 s8, s3;
	s9 =	sadd.s32 s22, s6;
	s13 =	sadd.s32 s7, s6  }
0xe: {  	s26 =	ssub.s32 s10, s24;
	s28 =	smul.u32 $0x61A, s25;
	s15 =	smin.u32 s25, $0x10  }
0xf: {  	s7 =	sor.u32 $0x1C04, s29;
	s6 =	sadd.s32 $0x1600, s9;
	s8 =	sadd.s32 $0x19E00, s9  }
0x10: {  	s23 =	sadd.s32 $0x32600, s13;
	s13 =	sshrl.u32 s14, $0x3;
	s14 =	simm.s32 $0x4  }
0x11: {  	s10 =	sadd.s32 s15, s28;
	s15 =	sor.u32 s16, s15;
	s16 =	simm.s32 $0x18700  }
0x12: {  	s22 =	sadd.s32 s22, s23;
	s23 =	simm.s32 $0x0;
	s10 =	sshll.u32 s10, $0x5  }
0x13: {  	s15 =	sadd.s32 s17, s15;
	s17 =	simm.s32 $0x80;
	s18 =	sadd.s32 $0xC200, s10  }
0x14: {  	s15 =	sshll.u32 s15, $0x5;
	s9 =	sadd.s32 s11, s10;
	s31 =	sand.u32 $0x1FFFFFE0, s18  }
0x15: {  	s15 =	sadd.s32 s15, s11;
	s18 =	simm.s32 $0x1A700;
	s10 =	sadd.s32 s11, s31  }
0x16: {  	s11 =	smax.u32 s26, $0x1;
	s12 =	sadd.s32 $0x200, s15;
	s15 =	sshrl.u32 s30, $0x3  }
.LBB2_1:
0x17: {  	[spmem:s13], [sflag:s7] =	dma.local [hbm:s6], $0x1870  }
0x18: {  	_ =	swait.ge [sflag:s14], $0x1870  }
0x19: {  	[sflag:s14] =	ssyncset.done $0x0  }
0x1a: {  	[sflag:s14] =	ssyncadd.s32 $0xFFFFE790  }
0x1b: {  	[spmem:s15], [sflag:s7] =	dma.local [hbm:s8], $0x1870  }
0x1c: {  	_ =	swait.ge [sflag:s14], $0x1870  }
0x1d: {  	[sflag:s14] =	ssyncset.done $0x0  }
0x1e: {  	[sflag:s14] =	ssyncadd.s32 $0xFFFFE790  }
0x1f: {  	[bflag:$0x0] =	sbarrier.arrive $0xFFFF  }
0x20: {  	[tilespmem:s16], [sflag:$0x4] =	stream.linear.gather [hbm4b:s9+s4], $0x1000, $0x38;
	[tilespmem:$0x1AF00] =	vst v63  }
0x21: {  	_ =	swait.ge [sflag:s14], $0x1000  }
0x22: {  	[sflag:s14] =	ssyncset.done $0x0  }
0x23: {  	s24 =	smov.u32 s12;
	s25 =	simm.s32 $0x0;
	[sflag:s14] =	ssyncadd.s32 $0xFFFFF000  }
.LBB2_2:
0x24: {  	s26 =	sand.u32 $0x1, s25;
	p1 =	seq.s32 s25, $0x60  }
0x25: {  	s28 =	sshll.u32 @!p1 s26, $0xC;
	s26 =	sshll.u32 s26, $0xE  }
0x26: {  	s29 =	simm.s32 @!p1 $0x0;
	s28 =	sxor.u32 @!p1 $0x19700, s28;
	s26 =	sshrl.u32 s26, $0x2  }
0x27: {  	[tilespmem:s28], [sflag:$0x3] =	stream.linear.gather @!p1 [hbm4b:s24+s29], $0x1000, $0x38;
	[tilespmem:$0x1AF00] =	vst v63  }
0x28: {  	s31 =	sadd.s32 $0x18700, s26  }
0x29: {  	[tilespmem:s18], [sflag:$0x1] =	stream.indirect.gather [spmem:s2], $0x8, s31, s17, $0xb8;
	[tilespmem:$0x1AF00] =	vst v63  }
0x2a: {  	_ =	swait.ge [sflag:s19], $0x400  }
0x2b: {  	[sflag:s19] =	ssyncset.done $0x0  }
0x2c: {  	s29 =	sadd.s32 $0x18800, s26;
	[sflag:s19] =	ssyncadd.s32 $0xFFFFFC00  }
0x2d: {  	[tilespmem:s20], [sflag:$0x2] =	stream.indirect.gather [spmem:s2], $0x8, s29, s17, $0xb8;
	[tilespmem:$0x1AF00] =	vst v63  }
0x2e: {  	s30 =	sadd.s32 $0x18780, s26  }
0x2f: {  	[spmem:s3] =	stream.indirect.scatter.add.f32 [tilespmem:s18], [sflag:$0x4], $0x8, s30, s17, $0xb8;
	[tilespmem:$0x1AF00] =	vst v63  }
0x30: {  	_ =	swait.ge [sflag:s14], $0x400  }
0x31: {  	[sflag:s14] =	ssyncset.done $0x0  }
0x32: {  	[sflag:s14] =	ssyncadd.s32 $0xFFFFFC00  }
0x33: {  	_ =	swait.ge [sflag:s21], $0x400  }
0x34: {  	[sflag:s21] =	ssyncset.done $0x0  }
0x35: {  	s31 =	sadd.s32 $0x18900, s26;
	[sflag:s21] =	ssyncadd.s32 $0xFFFFFC00  }
0x36: {  	[tilespmem:s18], [sflag:$0x1] =	stream.indirect.gather [spmem:s2], $0x8, s31, s17, $0xb8;
	[tilespmem:$0x1AF00] =	vst v63  }
0x37: {  	s29 =	sadd.s32 $0x18880, s26  }
0x38: {  	[spmem:s3] =	stream.indirect.scatter.add.f32 [tilespmem:s20], [sflag:$0x4], $0x8, s29, s17, $0xb8;
	[tilespmem:$0x1AF00] =	vst v63  }
0x39: {  	_ =	swait.ge [sflag:s14], $0x400  }
0x3a: {  	[sflag:s14] =	ssyncset.done $0x0  }
0x3b: {  	[sflag:s14] =	ssyncadd.s32 $0xFFFFFC00  }
0x3c: {  	_ =	swait.ge [sflag:s19], $0x400  }
0x3d: {  	[sflag:s19] =	ssyncset.done $0x0  }
0x3e: {  	s30 =	sadd.s32 $0x18A00, s26;
	[sflag:s19] =	ssyncadd.s32 $0xFFFFFC00  }
0x3f: {  	[tilespmem:s20], [sflag:$0x2] =	stream.indirect.gather [spmem:s2], $0x8, s30, s17, $0xb8;
	[tilespmem:$0x1AF00] =	vst v63  }
0x40: {  	s31 =	sadd.s32 $0x18980, s26  }
0x41: {  	[spmem:s3] =	stream.indirect.scatter.add.f32 [tilespmem:s18], [sflag:$0x4], $0x8, s31, s17, $0xb8;
	[tilespmem:$0x1AF00] =	vst v63  }
0x42: {  	_ =	swait.ge [sflag:s14], $0x400  }
0x43: {  	[sflag:s14] =	ssyncset.done $0x0  }
0x44: {  	[sflag:s14] =	ssyncadd.s32 $0xFFFFFC00  }
0x45: {  	_ =	swait.ge [sflag:s21], $0x400  }
0x46: {  	[sflag:s21] =	ssyncset.done $0x0  }
0x47: {  	s29 =	sadd.s32 $0x18B00, s26;
	[sflag:s21] =	ssyncadd.s32 $0xFFFFFC00  }
0x48: {  	[tilespmem:s18], [sflag:$0x1] =	stream.indirect.gather [spmem:s2], $0x8, s29, s17, $0xb8;
	[tilespmem:$0x1AF00] =	vst v63  }
0x49: {  	s30 =	sadd.s32 $0x18A80, s26  }
0x4a: {  	[spmem:s3] =	stream.indirect.scatter.add.f32 [tilespmem:s20], [sflag:$0x4], $0x8, s30, s17, $0xb8;
	[tilespmem:$0x1AF00] =	vst v63  }
0x4b: {  	_ =	swait.ge [sflag:s14], $0x400  }
0x4c: {  	[sflag:s14] =	ssyncset.done $0x0  }
0x4d: {  	[sflag:s14] =	ssyncadd.s32 $0xFFFFFC00  }
0x4e: {  	_ =	swait.ge [sflag:s19], $0x400  }
0x4f: {  	[sflag:s19] =	ssyncset.done $0x0  }
0x50: {  	s31 =	sadd.s32 $0x18C00, s26;
	[sflag:s19] =	ssyncadd.s32 $0xFFFFFC00  }
0x51: {  	[tilespmem:s20], [sflag:$0x2] =	stream.indirect.gather [spmem:s2], $0x8, s31, s17, $0xb8;
	[tilespmem:$0x1AF00] =	vst v63  }
0x52: {  	s29 =	sadd.s32 $0x18B80, s26  }
0x53: {  	[spmem:s3] =	stream.indirect.scatter.add.f32 [tilespmem:s18], [sflag:$0x4], $0x8, s29, s17, $0xb8;
	[tilespmem:$0x1AF00] =	vst v63  }
0x54: {  	_ =	swait.ge [sflag:s14], $0x400  }
0x55: {  	[sflag:s14] =	ssyncset.done $0x0  }
0x56: {  	[sflag:s14] =	ssyncadd.s32 $0xFFFFFC00  }
0x57: {  	_ =	swait.ge [sflag:s21], $0x400  }
0x58: {  	[sflag:s21] =	ssyncset.done $0x0  }
0x59: {  	s30 =	sadd.s32 $0x18D00, s26;
	[sflag:s21] =	ssyncadd.s32 $0xFFFFFC00  }
0x5a: {  	[tilespmem:s18], [sflag:$0x1] =	stream.indirect.gather [spmem:s2], $0x8, s30, s17, $0xb8;
	[tilespmem:$0x1AF00] =	vst v63  }
0x5b: {  	s31 =	sadd.s32 $0x18C80, s26  }
0x5c: {  	[spmem:s3] =	stream.indirect.scatter.add.f32 [tilespmem:s20], [sflag:$0x4], $0x8, s31, s17, $0xb8;
	[tilespmem:$0x1AF00] =	vst v63  }
0x5d: {  	_ =	swait.ge [sflag:s14], $0x400  }
0x5e: {  	[sflag:s14] =	ssyncset.done $0x0  }
0x5f: {  	[sflag:s14] =	ssyncadd.s32 $0xFFFFFC00  }
0x60: {  	_ =	swait.ge [sflag:s19], $0x400  }
0x61: {  	[sflag:s19] =	ssyncset.done $0x0  }
0x62: {  	s29 =	sadd.s32 $0x18E00, s26;
	[sflag:s19] =	ssyncadd.s32 $0xFFFFFC00  }
0x63: {  	[tilespmem:s20], [sflag:$0x2] =	stream.indirect.gather [spmem:s2], $0x8, s29, s17, $0xb8;
	[tilespmem:$0x1AF00] =	vst v63  }
0x64: {  	s30 =	sadd.s32 $0x18D80, s26  }
0x65: {  	[spmem:s3] =	stream.indirect.scatter.add.f32 [tilespmem:s18], [sflag:$0x4], $0x8, s30, s17, $0xb8;
	[tilespmem:$0x1AF00] =	vst v63  }
0x66: {  	_ =	swait.ge [sflag:s14], $0x400  }
0x67: {  	[sflag:s14] =	ssyncset.done $0x0  }
0x68: {  	[sflag:s14] =	ssyncadd.s32 $0xFFFFFC00  }
0x69: {  	_ =	swait.ge [sflag:s21], $0x400  }
0x6a: {  	[sflag:s21] =	ssyncset.done $0x0  }
0x6b: {  	s31 =	sadd.s32 $0x18F00, s26;
	[sflag:s21] =	ssyncadd.s32 $0xFFFFFC00  }
0x6c: {  	[tilespmem:s18], [sflag:$0x1] =	stream.indirect.gather [spmem:s2], $0x8, s31, s17, $0xb8;
	[tilespmem:$0x1AF00] =	vst v63  }
0x6d: {  	s29 =	sadd.s32 $0x18E80, s26  }
0x6e: {  	[spmem:s3] =	stream.indirect.scatter.add.f32 [tilespmem:s20], [sflag:$0x4], $0x8, s29, s17, $0xb8;
	[tilespmem:$0x1AF00] =	vst v63  }
0x6f: {  	_ =	swait.ge [sflag:s14], $0x400  }
0x70: {  	[sflag:s14] =	ssyncset.done $0x0  }
0x71: {  	[sflag:s14] =	ssyncadd.s32 $0xFFFFFC00  }
0x72: {  	_ =	swait.ge [sflag:s19], $0x400  }
0x73: {  	[sflag:s19] =	ssyncset.done $0x0  }
0x74: {  	s30 =	sadd.s32 $0x19000, s26;
	[sflag:s19] =	ssyncadd.s32 $0xFFFFFC00  }
0x75: {  	[tilespmem:s20], [sflag:$0x2] =	stream.indirect.gather [spmem:s2], $0x8, s30, s17, $0xb8;
	[tilespmem:$0x1AF00] =	vst v63  }
0x76: {  	s31 =	sadd.s32 $0x18F80, s26  }
0x77: {  	[spmem:s3] =	stream.indirect.scatter.add.f32 [tilespmem:s18], [sflag:$0x4], $0x8, s31, s17, $0xb8;
	[tilespmem:$0x1AF00] =	vst v63  }
0x78: {  	_ =	swait.ge [sflag:s14], $0x400  }
0x79: {  	[sflag:s14] =	ssyncset.done $0x0  }
0x7a: {  	[sflag:s14] =	ssyncadd.s32 $0xFFFFFC00  }
0x7b: {  	_ =	swait.ge [sflag:s21], $0x400  }
0x7c: {  	[sflag:s21] =	ssyncset.done $0x0  }
0x7d: {  	s29 =	sadd.s32 $0x19100, s26;
	[sflag:s21] =	ssyncadd.s32 $0xFFFFFC00  }
0x7e: {  	[tilespmem:s18], [sflag:$0x1] =	stream.indirect.gather [spmem:s2], $0x8, s29, s17, $0xb8;
	[tilespmem:$0x1AF00] =	vst v63  }
0x7f: {  	s30 =	sadd.s32 $0x19080, s26  }
0x80: {  	[spmem:s3] =	stream.indirect.scatter.add.f32 [tilespmem:s20], [sflag:$0x4], $0x8, s30, s17, $0xb8;
	[tilespmem:$0x1AF00] =	vst v63  }
0x81: {  	_ =	swait.ge [sflag:s14], $0x400  }
0x82: {  	[sflag:s14] =	ssyncset.done $0x0  }
0x83: {  	[sflag:s14] =	ssyncadd.s32 $0xFFFFFC00  }
0x84: {  	_ =	swait.ge [sflag:s19], $0x400  }
0x85: {  	[sflag:s19] =	ssyncset.done $0x0  }
0x86: {  	s31 =	sadd.s32 $0x19200, s26;
	[sflag:s19] =	ssyncadd.s32 $0xFFFFFC00  }
0x87: {  	[tilespmem:s20], [sflag:$0x2] =	stream.indirect.gather [spmem:s2], $0x8, s31, s17, $0xb8;
	[tilespmem:$0x1AF00] =	vst v63  }
0x88: {  	s29 =	sadd.s32 $0x19180, s26  }
0x89: {  	[spmem:s3] =	stream.indirect.scatter.add.f32 [tilespmem:s18], [sflag:$0x4], $0x8, s29, s17, $0xb8;
	[tilespmem:$0x1AF00] =	vst v63  }
0x8a: {  	_ =	swait.ge [sflag:s14], $0x400  }
0x8b: {  	[sflag:s14] =	ssyncset.done $0x0  }
0x8c: {  	[sflag:s14] =	ssyncadd.s32 $0xFFFFFC00  }
0x8d: {  	_ =	swait.ge [sflag:s21], $0x400  }
0x8e: {  	[sflag:s21] =	ssyncset.done $0x0  }
0x8f: {  	s30 =	sadd.s32 $0x19300, s26;
	[sflag:s21] =	ssyncadd.s32 $0xFFFFFC00  }
0x90: {  	[tilespmem:s18], [sflag:$0x1] =	stream.indirect.gather [spmem:s2], $0x8, s30, s17, $0xb8;
	[tilespmem:$0x1AF00] =	vst v63  }
0x91: {  	s31 =	sadd.s32 $0x19280, s26  }
0x92: {  	[spmem:s3] =	stream.indirect.scatter.add.f32 [tilespmem:s20], [sflag:$0x4], $0x8, s31, s17, $0xb8;
	[tilespmem:$0x1AF00] =	vst v63  }
0x93: {  	_ =	swait.ge [sflag:s14], $0x400  }
0x94: {  	[sflag:s14] =	ssyncset.done $0x0  }
0x95: {  	[sflag:s14] =	ssyncadd.s32 $0xFFFFFC00  }
0x96: {  	_ =	swait.ge [sflag:s19], $0x400  }
0x97: {  	[sflag:s19] =	ssyncset.done $0x0  }
0x98: {  	s29 =	sadd.s32 $0x19400, s26;
	[sflag:s19] =	ssyncadd.s32 $0xFFFFFC00  }
0x99: {  	[tilespmem:s20], [sflag:$0x2] =	stream.indirect.gather [spmem:s2], $0x8, s29, s17, $0xb8;
	[tilespmem:$0x1AF00] =	vst v63  }
0x9a: {  	s30 =	sadd.s32 $0x19380, s26  }
0x9b: {  	[spmem:s3] =	stream.indirect.scatter.add.f32 [tilespmem:s18], [sflag:$0x4], $0x8, s30, s17, $0xb8;
	[tilespmem:$0x1AF00] =	vst v63  }
0x9c: {  	_ =	swait.ge [sflag:s14], $0x400  }
0x9d: {  	[sflag:s14] =	ssyncset.done $0x0  }
0x9e: {  	[sflag:s14] =	ssyncadd.s32 $0xFFFFFC00  }
0x9f: {  	_ =	swait.ge [sflag:s21], $0x400  }
0xa0: {  	[sflag:s21] =	ssyncset.done $0x0  }
0xa1: {  	s31 =	sadd.s32 $0x19500, s26;
	[sflag:s21] =	ssyncadd.s32 $0xFFFFFC00  }
0xa2: {  	[tilespmem:s18], [sflag:$0x1] =	stream.indirect.gather [spmem:s2], $0x8, s31, s17, $0xb8;
	[tilespmem:$0x1AF00] =	vst v63  }
0xa3: {  	s29 =	sadd.s32 $0x19480, s26  }
0xa4: {  	[spmem:s3] =	stream.indirect.scatter.add.f32 [tilespmem:s20], [sflag:$0x4], $0x8, s29, s17, $0xb8;
	[tilespmem:$0x1AF00] =	vst v63  }
0xa5: {  	_ =	swait.ge [sflag:s14], $0x400  }
0xa6: {  	[sflag:s14] =	ssyncset.done $0x0  }
0xa7: {  	[sflag:s14] =	ssyncadd.s32 $0xFFFFFC00  }
0xa8: {  	_ =	swait.ge [sflag:s19], $0x400  }
0xa9: {  	[sflag:s19] =	ssyncset.done $0x0  }
0xaa: {  	s30 =	sadd.s32 $0x19600, s26;
	[sflag:s19] =	ssyncadd.s32 $0xFFFFFC00  }
0xab: {  	[tilespmem:s20], [sflag:$0x2] =	stream.indirect.gather [spmem:s2], $0x8, s30, s17, $0xb8;
	[tilespmem:$0x1AF00] =	vst v63  }
0xac: {  	s31 =	sadd.s32 $0x19580, s26  }
0xad: {  	[spmem:s3] =	stream.indirect.scatter.add.f32 [tilespmem:s18], [sflag:$0x4], $0x8, s31, s17, $0xb8;
	[tilespmem:$0x1AF00] =	vst v63  }
0xae: {  	_ =	swait.ge [sflag:s14], $0x400  }
0xaf: {  	[sflag:s14] =	ssyncset.done $0x0  }
0xb0: {  	[sflag:s14] =	ssyncadd.s32 $0xFFFFFC00  }
0xb1: {  	_ =	swait.ge [sflag:s21], $0x400  }
0xb2: {  	s25 =	sadd.s32 $0x1, s25;
	[sflag:s21] =	ssyncset.done $0x0  }
0xb3: {  	p2 =	sne.s32 @!p1 s25, $0x61;
	s26 =	sadd.s32 $0x19680, s26;
	[sflag:s21] =	ssyncadd.s32 $0xFFFFFC00  }
0xb4: {  	[spmem:s3] =	stream.indirect.scatter.add.f32 [tilespmem:s20], [sflag:$0x4], $0x8, s26, s17, $0xb8;
	[tilespmem:$0x1AF00] =	vst v63  }
0xb5: {  	p2 =	por p1, !p2;
	_ =	swait.ge [sflag:s14], $0x400  }
.Ltmp0:
0xb6: {  	[sflag:s14] =	ssyncset.done $0x0;
	(pc) =	sbr.rel @!p2 .LBB2_2-.Ltmp0, $4  }
0xb7: {  	s26 =	simm.s32 @!p1 $0x3;
	[sflag:s14] =	ssyncadd.s32 $0xFFFFFC00  }
0xb8: {  	_ =	swait.ge @!p1 [sflag:s26], $0x1000  }
0xb9: {  	[sflag:s26] =	ssyncset.done @!p1 $0x0  }
0xba: {  	s24 =	sadd.s32 @!p1 $0x200, s24;
	[sflag:s26] =	ssyncadd.s32 @!p1 $0xFFFFF000  }
0xbb: {  	s24 =	simm.s32 @p0 $0x0;
	s25 =	simm.s32 @p0 $0x18700  }
0xbc: {  	[tilespmem:s25], [sflag:$0x4] =	stream.linear.gather @p0 [hbm4b:s10+s24], $0xA00, $0x38;
	[tilespmem:$0x1AF00] =	vst v63  }
0xbd: {  	s24 =	simm.s32 @p0 $0x4  }
0xbe: {  	_ =	swait.ge @p0 [sflag:s24], $0xA00  }
0xbf: {  	[sflag:s24] =	ssyncset.done @p0 $0x0  }
0xc0: {  	s25 =	simm.s32 @!p0 $0x18700;
	[sflag:s24] =	ssyncadd.s32 @p0 $0xFFFFF600;
	s24 =	simm.s32 @!p0 $0x0  }
0xc1: {  	[tilespmem:s25], [sflag:$0x4] =	stream.linear.gather @!p0 [hbm4b:s10+s24], $0xB00, $0x38;
	[tilespmem:$0x1AF00] =	vst v63  }
0xc2: {  	s24 =	simm.s32 @!p0 $0x4  }
0xc3: {  	_ =	swait.ge @!p0 [sflag:s24], $0xB00  }
0xc4: {  	[sflag:s24] =	ssyncset.done @!p0 $0x0  }
0xc5: {  	s25 =	simm.s32 $0x18700;
	[sflag:s24] =	ssyncadd.s32 @!p0 $0xFFFFF500;
	s24 =	simm.s32 $0x1  }
.LBB2_4:
0xc6: {  	[tilespmem:s18], [sflag:$0x4] =	stream.indirect.gather [spmem:s2], $0x8, s25, s17, $0xb8;
	[tilespmem:$0x1AF00] =	vst v63  }
0xc7: {  	s31 =	sxor.u32 s24, s5;
	_ =	swait.ge [sflag:s14], $0x400  }
0xc8: {  	p1 =	sne.s32 s31, $0xB;
	[sflag:s14] =	ssyncset.done $0x0  }
.Ltmp1:
0xc9: {  	s26 =	sadd.s32 $0x80, s25;
	[sflag:s14] =	ssyncadd.s32 $0xFFFFFC00;
	(pc) =	sbr.rel @p1 .LBB2_4-.Ltmp1, $4  }
0xca: {  	[spmem:s3] =	stream.indirect.scatter.add.f32 [tilespmem:s18], [sflag:$0x4], $0x8, s26, s17, $0xb8;
	[tilespmem:$0x1AF00] =	vst v63  }
0xcb: {  	_ =	swait.ge [sflag:s14], $0x400  }
0xcc: {  	[sflag:s14] =	ssyncset.done $0x0  }
0xcd: {  	s24 =	sadd.s32 $0x1, s24;
	s25 =	sadd.s32 $0x100, s25;
	[sflag:s14] =	ssyncadd.s32 $0xFFFFFC00  }
0xce: {  	s23 =	sadd.s32 $0x1, s23  }
0xcf: {  	p1 =	sne.s32 s23, s11  }
.Ltmp2:
0xd0: {  	[bflag:$0x0] =	sbarrier.arrive $0xFFFF;
	(pc) =	sbr.rel @p1 .LBB2_1-.Ltmp2, $4  }
0xd1: {  	[hbm:s22], [sflag:s7] =	dma.local [spmem:s15], $0x1870  }
0xd2: {  	_ =	swait.ge [sflag:s14], $0x1870  }
0xd3: {  	[sflag:s14] =	ssyncset.done $0x0  }
0xd4: {  	[sflag:s14] =	ssyncadd.s32 $0xFFFFE790  }
0xd5: {  	_ =	sfence.sel $0x180000  }
0xd6: {  	[bflag:$0x0] =	sbarrier.arrive $0xFFFF  }
0xd7: {  	p0 =	sne.s32 s1, $0x0;
	_ =	strace $0x90000047  }
0xd8: {  	s0 =	sadd.s32 @!p0 $0x100000, s0;
	[bflag:$0x2] =	sbarrier.arrive $0xFFFF  }
0xd9: {  	[sflag:s0] =	ssyncadd.tile.s32 @!p0 $0x1;
	_ =	shalt  }
.Lfunc_end2:
_tile_overlayer_lowered:
.L_overlay_start_2:
0xda: {  	(tag) =	ssettag $0x2  }
0xdb: {  	s0 =	rddreg [dreg:$0x0];
	s2 =	stileid.u32  }
0xdc: {  	s1 =	rddreg [dreg:$0x1];
	p0 =	sne.s32 s2, $0x0  }
0xdd: {  	s3 =	rddreg [dreg:$0x2];
	[bflag:$0x3] =	sbarrier.arrive $0xFFFF;
	s2 =	simm.s32 @!p0 $0x1C04  }
0xde: {  	[timem:s3], [sflag:s2] =	dma.local @!p0 [hbm:s0], s1  }
0xdf: {  	s0 =	simm.s32 @!p0 $0x4  }
0xe0: {  	_ =	swait.ge @!p0 [sflag:s0], s1  }
0xe1: {  	s1 =	ssub.s32 @!p0 $0x0, s1;
	[sflag:s0] =	ssyncset.done @!p0 $0x0  }
0xe2: {  	[sflag:s0] =	ssyncadd.s32 @!p0 s1  }
0xe3: {  	[bflag:$0x3] =	sbarrier.arrive $0xFFFF  }
0xe4: {  	_ =	shalt  }

</sc_bundles>
